<compile_context>
chip_gen: v7x
topology: tpu7x:2x2x1
jax: 0.10.2.dev20260603
libtpu: 0.0.44.dev20260713+nightly
codegen_flags: <defaults>
</compile_context>

<pallas_src>
import functools

import jax
import jax.numpy as jnp
from jax import lax
from jax.experimental import pallas as pl
from jax.experimental.pallas import tpu as pltpu
from jax.experimental.pallas import tpu_sc as plsc

K = 50


def _sc_gather(table, idx_flat):
    B = idx_flat.shape[0]
    info = plsc.get_sparse_core_info()
    nw = info.num_cores * info.num_subcores
    b_per_w = B // nw
    n_chunks = 4
    b_chunk = b_per_w // n_chunks
    mesh = plsc.VectorSubcoreMesh(core_axis_name="c", subcore_axis_name="s")

    @functools.partial(
        pl.kernel, mesh=mesh,
        compiler_params=pltpu.CompilerParams(use_tc_tiling_on_sc=False),
        out_type=jax.ShapeDtypeStruct((B, 16), jnp.float32),
        scratch_types=[
            pltpu.VMEM((b_chunk,), jnp.int32),
            pltpu.VMEM((b_chunk, 16), jnp.float32),
            pltpu.SemaphoreType.DMA,
        ],
    )
    def k(table_hbm, idx_hbm, out_hbm, idx_v, rows_v, sem):
        wid = lax.axis_index("s") * info.num_cores + lax.axis_index("c")
        base = wid * b_per_w
        for c in range(n_chunks):
            off = base + c * b_chunk
            pltpu.sync_copy(idx_hbm.at[pl.ds(off, b_chunk)], idx_v)
            pltpu.async_copy(table_hbm.at[idx_v], rows_v, sem).wait()
            pltpu.sync_copy(rows_v, out_hbm.at[pl.ds(off, b_chunk)])

    return k(table, idx_flat)


def _gather_rows(tab3, idx):
    n = tab3.shape[0]
    tab16 = jnp.pad(tab3, ((0, 0), (0, 13)))
    out = _sc_gather(tab16, idx.reshape(-1))
    return out[:, :3].reshape(n, K, 3)


def _topk_kernel(d2_ref, idx_ref, *, n):
    d2 = d2_ref[...]
    r = d2.shape[0]

    lane = jax.lax.broadcasted_iota(jnp.int32, (r, n), 1)

    def body(j, d):
        am = jnp.argmin(d, axis=1).astype(jnp.int32)
        idx_ref[pl.ds(j, 1), :] = am[None, :]
        return jnp.where(lane == am[:, None], jnp.inf, d)

    jax.lax.fori_loop(0, K, body, d2)


def _knn_topk(d2):
    n = d2.shape[0]
    blk = 256
    grid = n // blk

    idx_km = pl.pallas_call(
        functools.partial(_topk_kernel, n=n),
        grid=(grid,),
        in_specs=[
            pl.BlockSpec((blk, n), lambda i: (i, 0)),
        ],
        out_specs=pl.BlockSpec((K, blk), lambda i: (0, i)),
        out_shape=jax.ShapeDtypeStruct((K, n), jnp.int32),
    )(d2)
    return idx_km.T


def kernel(pointscloud):
    k = K
    p = pointscloud
    B, N = p.shape[:2]

    sq = jnp.sum(p * p, axis=-1)
    d2 = sq[:, :, None] + sq[:, None, :] - 2.0 * jnp.einsum('bnd,bmd->bnm', p, p)
    idx = jax.vmap(_knn_topk)(d2)
    knn = jnp.stack([_gather_rows(p[b], idx[b]) for b in range(B)])

    centered = knn - knn.mean(axis=-2, keepdims=True)
    covs = jnp.matmul(jnp.swapaxes(centered, -1, -2), centered) / (k - 1)
    eigvals, eigvecs = jnp.linalg.eigh(covs)
    frames = jnp.swapaxes(eigvecs, -1, -2)
    det = jnp.linalg.det(frames)
    frames = frames.at[:, :, 1, :].set(frames[:, :, 1, :] * det[..., None])

    local_pt_diff = knn - p[:, :, None, :]
    normals = frames[:, :, 0, :]
    t1 = frames[:, :, 1, :]
    t2 = frames[:, :, 2, :]
    gathered_normals = jnp.stack(
        [_gather_rows(normals[b], idx[b]) for b in range(B)])
    local_n_diff = gathered_normals - normals[:, :, None, :]

    dpt1 = jnp.sum(local_pt_diff * t1[:, :, None, :], axis=-1, keepdims=True)
    dpt2 = jnp.sum(local_pt_diff * t2[:, :, None, :], axis=-1, keepdims=True)
    dpt = jnp.concatenate((dpt1, dpt2), axis=-1)
    dn1 = jnp.sum(local_n_diff * t1[:, :, None, :], axis=-1, keepdims=True)
    dn2 = jnp.sum(local_n_diff * t2[:, :, None, :], axis=-1, keepdims=True)
    dn = jnp.concatenate((dn1, dn2), axis=-1)

    XXT = jnp.matmul(jnp.swapaxes(dpt, -1, -2), dpt)
    YXT = jnp.matmul(jnp.swapaxes(dn, -1, -2), dpt)
    XYT = jnp.matmul(jnp.swapaxes(dpt, -1, -2), dn)
    S = YXT + XYT
    w, Q = jnp.linalg.eigh(XXT)
    QTSQ = jnp.matmul(jnp.swapaxes(Q, -1, -2), jnp.matmul(S, Q))
    a = w[:, :, 0]
    b = w[:, :, 1]
    a_b = a + b
    a2_a_b = jnp.stack((2 * a, a_b), axis=-1).reshape(B, -1, 1, 2)
    a_b_b2 = jnp.stack((a_b, 2 * b), axis=-1).reshape(B, -1, 1, 2)
    c = jnp.stack((a2_a_b, a_b_b2), axis=-2).reshape(B, -1, 2, 2)
    E = 1.0 / (c + 1e-8) * QTSQ
    W = jnp.matmul(Q, jnp.matmul(E, jnp.swapaxes(Q, -1, -2)))
    return jnp.linalg.det(W)

# --- scband reference (transcript-rebuilt; emitter-appended) ---
"""Pipeline reference for scband-differentiable-global-geometry-point-cloud-22797686407171 (READ-ONLY COPY).

The authoritative reference and input builder live on the scoring server;
editing this copy changes nothing except your own understanding.
"""

import jax, jax.numpy as jnp
import numpy as np

K_NEIGHBORS = 50


def _knn_points(p, K):
    # p: [B, N, 3] -> (idx [B,N,K], knn [B,N,K,3]); self is included (dist 0)
    sq = jnp.sum(p * p, axis=-1)
    d2 = sq[:, :, None] + sq[:, None, :] - 2.0 * jnp.einsum('bnd,bmd->bnm', p, p)
    _, idx = jax.lax.top_k(-d2, K)
    knn = jax.vmap(lambda pts, ix: pts[ix])(p, idx)
    return idx, knn


def setup_inputs(seed: int = 0) -> dict:
    key = jax.random.key(seed)
    pointscloud = jax.random.normal(key, (1, 8192, 3), dtype=jnp.float32)
    return {"pointscloud": pointscloud}


def reference(pointscloud):
    k = K_NEIGHBORS
    p = pointscloud
    B, N = p.shape[:2]

    # ---- frames_field_from_local_statistics (runs in __init__) ----
    idx, knn = _knn_points(p, k)
    centered = knn - knn.mean(axis=-2, keepdims=True)            # [B,N,k,3]
    covs = jnp.matmul(jnp.swapaxes(centered, -1, -2), centered) / (centered.shape[-1] - 1)
    eigvals, eigvecs = jnp.linalg.eigh(covs)                     # [B,N,3],[B,N,3,3]
    frames = jnp.swapaxes(eigvecs, -1, -2)                       # rows = eigenvectors
    det = jnp.linalg.det(frames)
    frames = frames.at[:, :, 1, :].set(frames[:, :, 1, :] * det[..., None])

    # ---- weingarten_fields ----
    local_pt_diff = knn - p[:, :, None, :]                       # [B,N,k,3]
    normals = frames[:, :, 0, :]
    t1 = frames[:, :, 1, :]
    t2 = frames[:, :, 2, :]
    gathered_normals = jax.vmap(lambda nf, ix: nf[ix])(normals, idx)  # knn_gather
    local_n_diff = gathered_normals - normals[:, :, None, :]

    dpt1 = jnp.sum(local_pt_diff * t1[:, :, None, :], axis=-1, keepdims=True)
    dpt2 = jnp.sum(local_pt_diff * t2[:, :, None, :], axis=-1, keepdims=True)
    dpt = jnp.concatenate((dpt1, dpt2), axis=-1)                 # [B,N,k,2]
    dn1 = jnp.sum(local_n_diff * t1[:, :, None, :], axis=-1, keepdims=True)
    dn2 = jnp.sum(local_n_diff * t2[:, :, None, :], axis=-1, keepdims=True)
    dn = jnp.concatenate((dn1, dn2), axis=-1)                    # [B,N,k,2]

    XXT = jnp.matmul(jnp.swapaxes(dpt, -1, -2), dpt)
    YXT = jnp.matmul(jnp.swapaxes(dn, -1, -2), dpt)
    XYT = jnp.matmul(jnp.swapaxes(dpt, -1, -2), dn)
    S = YXT + XYT
    w, Q = jnp.linalg.eigh(XXT)                                  # [B,N,2],[B,N,2,2]
    QTSQ = jnp.matmul(jnp.swapaxes(Q, -1, -2), jnp.matmul(S, Q))
    a = w[:, :, 0]
    b = w[:, :, 1]
    a_b = a + b
    a2_a_b = jnp.stack((2 * a, a_b), axis=-1).reshape(B, -1, 1, 2)
    a_b_b2 = jnp.stack((a_b, 2 * b), axis=-1).reshape(B, -1, 1, 2)
    c = jnp.stack((a2_a_b, a_b_b2), axis=-2).reshape(B, -1, 2, 2)
    E = 1.0 / (c + 1e-8) * QTSQ
    W = jnp.matmul(Q, jnp.matmul(E, jnp.swapaxes(Q, -1, -2)))

    # ---- gaussian_curvature ----
    gaussian_curvature_pcl = jnp.linalg.det(W)                   # [B,N]
    return gaussian_curvature_pcl

if __name__ == "__main__":
    import jax
    _d = setup_inputs()
    print(jax.jit(kernel)(*tuple(_d.values())))

</pallas_src>

<mosaic_0001>
#map = affine_map<(d0, d1) -> (0, 0)>
#map1 = affine_map<(d0, d1) -> (0)>
module attributes {stable_mosaic.version = 14 : i64} {
  func.func @k(%arg0: i32, %arg1: i32, %arg2: memref<8192x16xf32, #tpu.memory_space<hbm>>, %arg3: memref<409600xi32, #tpu.memory_space<hbm>>, %arg4: memref<409600x16xf32, #tpu.memory_space<hbm>>, %arg5: memref<3200xi32, #tpu.memory_space<vmem>>, %arg6: memref<3200x16xf32, #tpu.memory_space<vmem>>, %arg7: memref<!tpu.dma_semaphore, #tpu.memory_space<semaphore_mem>>) attributes {dimension_semantics = [#tpu.dimension_semantics<core_parallel>, #tpu.dimension_semantics<subcore_parallel>], iteration_bounds = array<i64: 2, 16>, scalar_prefetch = 0 : i64, scratch_operands = 3 : i64, tpu.core_type = #tpu.core_type<sc_vector_subcore>, window_params = [{transform_indices = #map}, {transform_indices = #map1}, {transform_indices = #map}]} {
    %mul3A = arith.constant 2 : i32
    %mul3A_0 = arith.muli %arg1, %mul3A : i32
    %add3A = arith.addi %mul3A_0, %arg0 : i32
    %mul3A_1 = arith.constant 12800 : i32
    %mul3A_2 = arith.muli %add3A, %mul3A_1 : i32
    %add3A_3 = arith.constant 0 : i32
    %add3A_4 = arith.addi %mul3A_2, %add3A_3 : i32
    "tpu.region"() ({
      %run_scoped3A = tpu.sem_alloc : memref<!tpu.dma_semaphore, #tpu.memory_space<semaphore_mem>>
      %dma_start3A_33 = tpu.memref_slice %arg3[%add3A_4] : memref<409600xi32, #tpu.memory_space<hbm>> -> memref<3200xi32, #tpu.memory_space<hbm>>
      %dma_start3A_34 = tpu.memref_slice %arg3[%add3A_4] : memref<409600xi32, #tpu.memory_space<hbm>> -> memref<3200xi32, #tpu.memory_space<hbm>>
      tpu.enqueue_dma source(%dma_start3A_34 : memref<3200xi32, #tpu.memory_space<hbm>>) target(%arg5 : memref<3200xi32, #tpu.memory_space<vmem>>) target_semaphore(%run_scoped3A : memref<!tpu.dma_semaphore, #tpu.memory_space<semaphore_mem>>)
      %dma_wait3A_35 = tpu.memref_slice %arg3[%add3A_4] : memref<409600xi32, #tpu.memory_space<hbm>> -> memref<3200xi32, #tpu.memory_space<hbm>>
      %dma_wait3A_36 = tpu.memref_slice %arg3[%add3A_4] : memref<409600xi32, #tpu.memory_space<hbm>> -> memref<3200xi32, #tpu.memory_space<hbm>>
      tpu.wait_dma2 semaphore(%run_scoped3A : memref<!tpu.dma_semaphore, #tpu.memory_space<semaphore_mem>>) src(%dma_wait3A_36 : memref<3200xi32, #tpu.memory_space<hbm>>) dst(%arg5 : memref<3200xi32, #tpu.memory_space<vmem>>)
      tpu.yield
    }) : () -> ()
    %dma_start3A = arith.constant 0 : i32
    %dma_start3A_5 = arith.constant 0 : i32
    %dma_start3A_6 = tpu.memref_slice %arg2[%dma_start3A, %dma_start3A_5] : memref<8192x16xf32, #tpu.memory_space<hbm>> -> memref<8192x16xf32, #tpu.memory_space<hbm>>
    tpu.enqueue_indirect_dma source(%dma_start3A_6 : memref<8192x16xf32, #tpu.memory_space<hbm>>) target(%arg6 : memref<3200x16xf32, #tpu.memory_space<vmem>>) offsets(%arg5 : memref<3200xi32, #tpu.memory_space<vmem>>) semaphore(%arg7 : memref<!tpu.dma_semaphore, #tpu.memory_space<semaphore_mem>>)
    %dma_wait3A = arith.constant 0 : i32
    %dma_wait3A_7 = arith.constant 0 : i32
    %dma_wait3A_8 = tpu.memref_slice %arg2[%dma_wait3A, %dma_wait3A_7] : memref<8192x16xf32, #tpu.memory_space<hbm>> -> memref<8192x16xf32, #tpu.memory_space<hbm>>
    tpu.wait_indirect_dma semaphore(%arg7 : memref<!tpu.dma_semaphore, #tpu.memory_space<semaphore_mem>>) src(%dma_wait3A_8 : memref<8192x16xf32, #tpu.memory_space<hbm>>) dst(%arg6 : memref<3200x16xf32, #tpu.memory_space<vmem>>)
    "tpu.region"() ({
      %run_scoped3A = tpu.sem_alloc : memref<!tpu.dma_semaphore, #tpu.memory_space<semaphore_mem>>
      %dma_start3A_33 = arith.constant 0 : i32
      %dma_start3A_34 = tpu.memref_slice %arg4[%add3A_4, %dma_start3A_33] : memref<409600x16xf32, #tpu.memory_space<hbm>> -> memref<3200x16xf32, #tpu.memory_space<hbm>>
      %dma_start3A_35 = arith.constant 0 : i32
      %dma_start3A_36 = tpu.memref_slice %arg4[%add3A_4, %dma_start3A_35] : memref<409600x16xf32, #tpu.memory_space<hbm>> -> memref<3200x16xf32, #tpu.memory_space<hbm>>
      tpu.enqueue_dma source(%arg6 : memref<3200x16xf32, #tpu.memory_space<vmem>>) target(%dma_start3A_36 : memref<3200x16xf32, #tpu.memory_space<hbm>>) target_semaphore(%run_scoped3A : memref<!tpu.dma_semaphore, #tpu.memory_space<semaphore_mem>>)
      %dma_wait3A_37 = arith.constant 0 : i32
      %dma_wait3A_38 = tpu.memref_slice %arg4[%add3A_4, %dma_wait3A_37] : memref<409600x16xf32, #tpu.memory_space<hbm>> -> memref<3200x16xf32, #tpu.memory_space<hbm>>
      %dma_wait3A_39 = arith.constant 0 : i32
      %dma_wait3A_40 = tpu.memref_slice %arg4[%add3A_4, %dma_wait3A_39] : memref<409600x16xf32, #tpu.memory_space<hbm>> -> memref<3200x16xf32, #tpu.memory_space<hbm>>
      tpu.wait_dma2 semaphore(%run_scoped3A : memref<!tpu.dma_semaphore, #tpu.memory_space<semaphore_mem>>) src(%arg6 : memref<3200x16xf32, #tpu.memory_space<vmem>>) dst(%dma_wait3A_40 : memref<3200x16xf32, #tpu.memory_space<hbm>>)
      tpu.yield
    }) : () -> ()
    %add3A_9 = arith.constant 3200 : i32
    %add3A_10 = arith.addi %mul3A_2, %add3A_9 : i32
    "tpu.region"() ({
      %run_scoped3A = tpu.sem_alloc : memref<!tpu.dma_semaphore, #tpu.memory_space<semaphore_mem>>
      %dma_start3A_33 = tpu.memref_slice %arg3[%add3A_10] : memref<409600xi32, #tpu.memory_space<hbm>> -> memref<3200xi32, #tpu.memory_space<hbm>>
      %dma_start3A_34 = tpu.memref_slice %arg3[%add3A_10] : memref<409600xi32, #tpu.memory_space<hbm>> -> memref<3200xi32, #tpu.memory_space<hbm>>
      tpu.enqueue_dma source(%dma_start3A_34 : memref<3200xi32, #tpu.memory_space<hbm>>) target(%arg5 : memref<3200xi32, #tpu.memory_space<vmem>>) target_semaphore(%run_scoped3A : memref<!tpu.dma_semaphore, #tpu.memory_space<semaphore_mem>>)
      %dma_wait3A_35 = tpu.memref_slice %arg3[%add3A_10] : memref<409600xi32, #tpu.memory_space<hbm>> -> memref<3200xi32, #tpu.memory_space<hbm>>
      %dma_wait3A_36 = tpu.memref_slice %arg3[%add3A_10] : memref<409600xi32, #tpu.memory_space<hbm>> -> memref<3200xi32, #tpu.memory_space<hbm>>
      tpu.wait_dma2 semaphore(%run_scoped3A : memref<!tpu.dma_semaphore, #tpu.memory_space<semaphore_mem>>) src(%dma_wait3A_36 : memref<3200xi32, #tpu.memory_space<hbm>>) dst(%arg5 : memref<3200xi32, #tpu.memory_space<vmem>>)
      tpu.yield
    }) : () -> ()
    %dma_start3A_11 = arith.constant 0 : i32
    %dma_start3A_12 = arith.constant 0 : i32
    %dma_start3A_13 = tpu.memref_slice %arg2[%dma_start3A_11, %dma_start3A_12] : memref<8192x16xf32, #tpu.memory_space<hbm>> -> memref<8192x16xf32, #tpu.memory_space<hbm>>
    tpu.enqueue_indirect_dma source(%dma_start3A_13 : memref<8192x16xf32, #tpu.memory_space<hbm>>) target(%arg6 : memref<3200x16xf32, #tpu.memory_space<vmem>>) offsets(%arg5 : memref<3200xi32, #tpu.memory_space<vmem>>) semaphore(%arg7 : memref<!tpu.dma_semaphore, #tpu.memory_space<semaphore_mem>>)
    %dma_wait3A_14 = arith.constant 0 : i32
    %dma_wait3A_15 = arith.constant 0 : i32
    %dma_wait3A_16 = tpu.memref_slice %arg2[%dma_wait3A_14, %dma_wait3A_15] : memref<8192x16xf32, #tpu.memory_space<hbm>> -> memref<8192x16xf32, #tpu.memory_space<hbm>>
    tpu.wait_indirect_dma semaphore(%arg7 : memref<!tpu.dma_semaphore, #tpu.memory_space<semaphore_mem>>) src(%dma_wait3A_16 : memref<8192x16xf32, #tpu.memory_space<hbm>>) dst(%arg6 : memref<3200x16xf32, #tpu.memory_space<vmem>>)
    "tpu.region"() ({
      %run_scoped3A = tpu.sem_alloc : memref<!tpu.dma_semaphore, #tpu.memory_space<semaphore_mem>>
      %dma_start3A_33 = arith.constant 0 : i32
      %dma_start3A_34 = tpu.memref_slice %arg4[%add3A_10, %dma_start3A_33] : memref<409600x16xf32, #tpu.memory_space<hbm>> -> memref<3200x16xf32, #tpu.memory_space<hbm>>
      %dma_start3A_35 = arith.constant 0 : i32
      %dma_start3A_36 = tpu.memref_slice %arg4[%add3A_10, %dma_start3A_35] : memref<409600x16xf32, #tpu.memory_space<hbm>> -> memref<3200x16xf32, #tpu.memory_space<hbm>>
      tpu.enqueue_dma source(%arg6 : memref<3200x16xf32, #tpu.memory_space<vmem>>) target(%dma_start3A_36 : memref<3200x16xf32, #tpu.memory_space<hbm>>) target_semaphore(%run_scoped3A : memref<!tpu.dma_semaphore, #tpu.memory_space<semaphore_mem>>)
      %dma_wait3A_37 = arith.constant 0 : i32
      %dma_wait3A_38 = tpu.memref_slice %arg4[%add3A_10, %dma_wait3A_37] : memref<409600x16xf32, #tpu.memory_space<hbm>> -> memref<3200x16xf32, #tpu.memory_space<hbm>>
      %dma_wait3A_39 = arith.constant 0 : i32
      %dma_wait3A_40 = tpu.memref_slice %arg4[%add3A_10, %dma_wait3A_39] : memref<409600x16xf32, #tpu.memory_space<hbm>> -> memref<3200x16xf32, #tpu.memory_space<hbm>>
      tpu.wait_dma2 semaphore(%run_scoped3A : memref<!tpu.dma_semaphore, #tpu.memory_space<semaphore_mem>>) src(%arg6 : memref<3200x16xf32, #tpu.memory_space<vmem>>) dst(%dma_wait3A_40 : memref<3200x16xf32, #tpu.memory_space<hbm>>)
      tpu.yield
    }) : () -> ()
    %add3A_17 = arith.constant 6400 : i32
    %add3A_18 = arith.addi %mul3A_2, %add3A_17 : i32
    "tpu.region"() ({
      %run_scoped3A = tpu.sem_alloc : memref<!tpu.dma_semaphore, #tpu.memory_space<semaphore_mem>>
      %dma_start3A_33 = tpu.memref_slice %arg3[%add3A_18] : memref<409600xi32, #tpu.memory_space<hbm>> -> memref<3200xi32, #tpu.memory_space<hbm>>
      %dma_start3A_34 = tpu.memref_slice %arg3[%add3A_18] : memref<409600xi32, #tpu.memory_space<hbm>> -> memref<3200xi32, #tpu.memory_space<hbm>>
      tpu.enqueue_dma source(%dma_start3A_34 : memref<3200xi32, #tpu.memory_space<hbm>>) target(%arg5 : memref<3200xi32, #tpu.memory_space<vmem>>) target_semaphore(%run_scoped3A : memref<!tpu.dma_semaphore, #tpu.memory_space<semaphore_mem>>)
      %dma_wait3A_35 = tpu.memref_slice %arg3[%add3A_18] : memref<409600xi32, #tpu.memory_space<hbm>> -> memref<3200xi32, #tpu.memory_space<hbm>>
      %dma_wait3A_36 = tpu.memref_slice %arg3[%add3A_18] : memref<409600xi32, #tpu.memory_space<hbm>> -> memref<3200xi32, #tpu.memory_space<hbm>>
      tpu.wait_dma2 semaphore(%run_scoped3A : memref<!tpu.dma_semaphore, #tpu.memory_space<semaphore_mem>>) src(%dma_wait3A_36 : memref<3200xi32, #tpu.memory_space<hbm>>) dst(%arg5 : memref<3200xi32, #tpu.memory_space<vmem>>)
      tpu.yield
    }) : () -> ()
    %dma_start3A_19 = arith.constant 0 : i32
    %dma_start3A_20 = arith.constant 0 : i32
    %dma_start3A_21 = tpu.memref_slice %arg2[%dma_start3A_19, %dma_start3A_20] : memref<8192x16xf32, #tpu.memory_space<hbm>> -> memref<8192x16xf32, #tpu.memory_space<hbm>>
    tpu.enqueue_indirect_dma source(%dma_start3A_21 : memref<8192x16xf32, #tpu.memory_space<hbm>>) target(%arg6 : memref<3200x16xf32, #tpu.memory_space<vmem>>) offsets(%arg5 : memref<3200xi32, #tpu.memory_space<vmem>>) semaphore(%arg7 : memref<!tpu.dma_semaphore, #tpu.memory_space<semaphore_mem>>)
    %dma_wait3A_22 = arith.constant 0 : i32
    %dma_wait3A_23 = arith.constant 0 : i32
    %dma_wait3A_24 = tpu.memref_slice %arg2[%dma_wait3A_22, %dma_wait3A_23] : memref<8192x16xf32, #tpu.memory_space<hbm>> -> memref<8192x16xf32, #tpu.memory_space<hbm>>
    tpu.wait_indirect_dma semaphore(%arg7 : memref<!tpu.dma_semaphore, #tpu.memory_space<semaphore_mem>>) src(%dma_wait3A_24 : memref<8192x16xf32, #tpu.memory_space<hbm>>) dst(%arg6 : memref<3200x16xf32, #tpu.memory_space<vmem>>)
    "tpu.region"() ({
      %run_scoped3A = tpu.sem_alloc : memref<!tpu.dma_semaphore, #tpu.memory_space<semaphore_mem>>
      %dma_start3A_33 = arith.constant 0 : i32
      %dma_start3A_34 = tpu.memref_slice %arg4[%add3A_18, %dma_start3A_33] : memref<409600x16xf32, #tpu.memory_space<hbm>> -> memref<3200x16xf32, #tpu.memory_space<hbm>>
      %dma_start3A_35 = arith.constant 0 : i32
      %dma_start3A_36 = tpu.memref_slice %arg4[%add3A_18, %dma_start3A_35] : memref<409600x16xf32, #tpu.memory_space<hbm>> -> memref<3200x16xf32, #tpu.memory_space<hbm>>
      tpu.enqueue_dma source(%arg6 : memref<3200x16xf32, #tpu.memory_space<vmem>>) target(%dma_start3A_36 : memref<3200x16xf32, #tpu.memory_space<hbm>>) target_semaphore(%run_scoped3A : memref<!tpu.dma_semaphore, #tpu.memory_space<semaphore_mem>>)
      %dma_wait3A_37 = arith.constant 0 : i32
      %dma_wait3A_38 = tpu.memref_slice %arg4[%add3A_18, %dma_wait3A_37] : memref<409600x16xf32, #tpu.memory_space<hbm>> -> memref<3200x16xf32, #tpu.memory_space<hbm>>
      %dma_wait3A_39 = arith.constant 0 : i32
      %dma_wait3A_40 = tpu.memref_slice %arg4[%add3A_18, %dma_wait3A_39] : memref<409600x16xf32, #tpu.memory_space<hbm>> -> memref<3200x16xf32, #tpu.memory_space<hbm>>
      tpu.wait_dma2 semaphore(%run_scoped3A : memref<!tpu.dma_semaphore, #tpu.memory_space<semaphore_mem>>) src(%arg6 : memref<3200x16xf32, #tpu.memory_space<vmem>>) dst(%dma_wait3A_40 : memref<3200x16xf32, #tpu.memory_space<hbm>>)
      tpu.yield
    }) : () -> ()
    %add3A_25 = arith.constant 9600 : i32
    %add3A_26 = arith.addi %mul3A_2, %add3A_25 : i32
    "tpu.region"() ({
      %run_scoped3A = tpu.sem_alloc : memref<!tpu.dma_semaphore, #tpu.memory_space<semaphore_mem>>
      %dma_start3A_33 = tpu.memref_slice %arg3[%add3A_26] : memref<409600xi32, #tpu.memory_space<hbm>> -> memref<3200xi32, #tpu.memory_space<hbm>>
      %dma_start3A_34 = tpu.memref_slice %arg3[%add3A_26] : memref<409600xi32, #tpu.memory_space<hbm>> -> memref<3200xi32, #tpu.memory_space<hbm>>
      tpu.enqueue_dma source(%dma_start3A_34 : memref<3200xi32, #tpu.memory_space<hbm>>) target(%arg5 : memref<3200xi32, #tpu.memory_space<vmem>>) target_semaphore(%run_scoped3A : memref<!tpu.dma_semaphore, #tpu.memory_space<semaphore_mem>>)
      %dma_wait3A_35 = tpu.memref_slice %arg3[%add3A_26] : memref<409600xi32, #tpu.memory_space<hbm>> -> memref<3200xi32, #tpu.memory_space<hbm>>
      %dma_wait3A_36 = tpu.memref_slice %arg3[%add3A_26] : memref<409600xi32, #tpu.memory_space<hbm>> -> memref<3200xi32, #tpu.memory_space<hbm>>
      tpu.wait_dma2 semaphore(%run_scoped3A : memref<!tpu.dma_semaphore, #tpu.memory_space<semaphore_mem>>) src(%dma_wait3A_36 : memref<3200xi32, #tpu.memory_space<hbm>>) dst(%arg5 : memref<3200xi32, #tpu.memory_space<vmem>>)
      tpu.yield
    }) : () -> ()
    %dma_start3A_27 = arith.constant 0 : i32
    %dma_start3A_28 = arith.constant 0 : i32
    %dma_start3A_29 = tpu.memref_slice %arg2[%dma_start3A_27, %dma_start3A_28] : memref<8192x16xf32, #tpu.memory_space<hbm>> -> memref<8192x16xf32, #tpu.memory_space<hbm>>
    tpu.enqueue_indirect_dma source(%dma_start3A_29 : memref<8192x16xf32, #tpu.memory_space<hbm>>) target(%arg6 : memref<3200x16xf32, #tpu.memory_space<vmem>>) offsets(%arg5 : memref<3200xi32, #tpu.memory_space<vmem>>) semaphore(%arg7 : memref<!tpu.dma_semaphore, #tpu.memory_space<semaphore_mem>>)
    %dma_wait3A_30 = arith.constant 0 : i32
    %dma_wait3A_31 = arith.constant 0 : i32
    %dma_wait3A_32 = tpu.memref_slice %arg2[%dma_wait3A_30, %dma_wait3A_31] : memref<8192x16xf32, #tpu.memory_space<hbm>> -> memref<8192x16xf32, #tpu.memory_space<hbm>>
    tpu.wait_indirect_dma semaphore(%arg7 : memref<!tpu.dma_semaphore, #tpu.memory_space<semaphore_mem>>) src(%dma_wait3A_32 : memref<8192x16xf32, #tpu.memory_space<hbm>>) dst(%arg6 : memref<3200x16xf32, #tpu.memory_space<vmem>>)
    "tpu.region"() ({
      %run_scoped3A = tpu.sem_alloc : memref<!tpu.dma_semaphore, #tpu.memory_space<semaphore_mem>>
      %dma_start3A_33 = arith.constant 0 : i32
      %dma_start3A_34 = tpu.memref_slice %arg4[%add3A_26, %dma_start3A_33] : memref<409600x16xf32, #tpu.memory_space<hbm>> -> memref<3200x16xf32, #tpu.memory_space<hbm>>
      %dma_start3A_35 = arith.constant 0 : i32
      %dma_start3A_36 = tpu.memref_slice %arg4[%add3A_26, %dma_start3A_35] : memref<409600x16xf32, #tpu.memory_space<hbm>> -> memref<3200x16xf32, #tpu.memory_space<hbm>>
      tpu.enqueue_dma source(%arg6 : memref<3200x16xf32, #tpu.memory_space<vmem>>) target(%dma_start3A_36 : memref<3200x16xf32, #tpu.memory_space<hbm>>) target_semaphore(%run_scoped3A : memref<!tpu.dma_semaphore, #tpu.memory_space<semaphore_mem>>)
      %dma_wait3A_37 = arith.constant 0 : i32
      %dma_wait3A_38 = tpu.memref_slice %arg4[%add3A_26, %dma_wait3A_37] : memref<409600x16xf32, #tpu.memory_space<hbm>> -> memref<3200x16xf32, #tpu.memory_space<hbm>>
      %dma_wait3A_39 = arith.constant 0 : i32
      %dma_wait3A_40 = tpu.memref_slice %arg4[%add3A_26, %dma_wait3A_39] : memref<409600x16xf32, #tpu.memory_space<hbm>> -> memref<3200x16xf32, #tpu.memory_space<hbm>>
      tpu.wait_dma2 semaphore(%run_scoped3A : memref<!tpu.dma_semaphore, #tpu.memory_space<semaphore_mem>>) src(%arg6 : memref<3200x16xf32, #tpu.memory_space<vmem>>) dst(%dma_wait3A_40 : memref<3200x16xf32, #tpu.memory_space<hbm>>)
      tpu.yield
    }) : () -> ()
    return
  }
}

#map = affine_map<(d0, d1) -> (0, 0)>
#map1 = affine_map<(d0, d1) -> (0)>
module attributes {stable_mosaic.version = 14 : i64} {
  func.func @k(%arg0: i32, %arg1: i32, %arg2: memref<8192x16xf32, #tpu.memory_space<hbm>>, %arg3: memref<409600xi32, #tpu.memory_space<hbm>>, %arg4: memref<409600x16xf32, #tpu.memory_space<hbm>>, %arg5: memref<3200xi32, #tpu.memory_space<vmem>>, %arg6: memref<3200x16xf32, #tpu.memory_space<vmem>>, %arg7: memref<!tpu.dma_semaphore, #tpu.memory_space<semaphore_mem>>) attributes {dimension_semantics = [#tpu.dimension_semantics<core_parallel>, #tpu.dimension_semantics<subcore_parallel>], iteration_bounds = array<i64: 2, 16>, scalar_prefetch = 0 : i64, scratch_operands = 3 : i64, tpu.core_type = #tpu.core_type<sc_vector_subcore>, window_params = [{transform_indices = #map}, {transform_indices = #map1}, {transform_indices = #map}]} {
    %mul3A = arith.constant 2 : i32
    %mul3A_0 = arith.muli %arg1, %mul3A : i32
    %add3A = arith.addi %mul3A_0, %arg0 : i32
    %mul3A_1 = arith.constant 12800 : i32
    %mul3A_2 = arith.muli %add3A, %mul3A_1 : i32
    %add3A_3 = arith.constant 0 : i32
    %add3A_4 = arith.addi %mul3A_2, %add3A_3 : i32
    "tpu.region"() ({
      %run_scoped3A = tpu.sem_alloc : memref<!tpu.dma_semaphore, #tpu.memory_space<semaphore_mem>>
      %dma_start3A_33 = tpu.memref_slice %arg3[%add3A_4] : memref<409600xi32, #tpu.memory_space<hbm>> -> memref<3200xi32, #tpu.memory_space<hbm>>
      %dma_start3A_34 = tpu.memref_slice %arg3[%add3A_4] : memref<409600xi32, #tpu.memory_space<hbm>> -> memref<3200xi32, #tpu.memory_space<hbm>>
      tpu.enqueue_dma source(%dma_start3A_34 : memref<3200xi32, #tpu.memory_space<hbm>>) target(%arg5 : memref<3200xi32, #tpu.memory_space<vmem>>) target_semaphore(%run_scoped3A : memref<!tpu.dma_semaphore, #tpu.memory_space<semaphore_mem>>)
      %dma_wait3A_35 = tpu.memref_slice %arg3[%add3A_4] : memref<409600xi32, #tpu.memory_space<hbm>> -> memref<3200xi32, #tpu.memory_space<hbm>>
      %dma_wait3A_36 = tpu.memref_slice %arg3[%add3A_4] : memref<409600xi32, #tpu.memory_space<hbm>> -> memref<3200xi32, #tpu.memory_space<hbm>>
      tpu.wait_dma2 semaphore(%run_scoped3A : memref<!tpu.dma_semaphore, #tpu.memory_space<semaphore_mem>>) src(%dma_wait3A_36 : memref<3200xi32, #tpu.memory_space<hbm>>) dst(%arg5 : memref<3200xi32, #tpu.memory_space<vmem>>)
      tpu.yield
    }) : () -> ()
    %dma_start3A = arith.constant 0 : i32
    %dma_start3A_5 = arith.constant 0 : i32
    %dma_start3A_6 = tpu.memref_slice %arg2[%dma_start3A, %dma_start3A_5] : memref<8192x16xf32, #tpu.memory_space<hbm>> -> memref<8192x16xf32, #tpu.memory_space<hbm>>
    tpu.enqueue_indirect_dma source(%dma_start3A_6 : memref<8192x16xf32, #tpu.memory_space<hbm>>) target(%arg6 : memref<3200x16xf32, #tpu.memory_space<vmem>>) offsets(%arg5 : memref<3200xi32, #tpu.memory_space<vmem>>) semaphore(%arg7 : memref<!tpu.dma_semaphore, #tpu.memory_space<semaphore_mem>>)
    %dma_wait3A = arith.constant 0 : i32
    %dma_wait3A_7 = arith.constant 0 : i32
    %dma_wait3A_8 = tpu.memref_slice %arg2[%dma_wait3A, %dma_wait3A_7] : memref<8192x16xf32, #tpu.memory_space<hbm>> -> memref<8192x16xf32, #tpu.memory_space<hbm>>
    tpu.wait_indirect_dma semaphore(%arg7 : memref<!tpu.dma_semaphore, #tpu.memory_space<semaphore_mem>>) src(%dma_wait3A_8 : memref<8192x16xf32, #tpu.memory_space<hbm>>) dst(%arg6 : memref<3200x16xf32, #tpu.memory_space<vmem>>)
    "tpu.region"() ({
      %run_scoped3A = tpu.sem_alloc : memref<!tpu.dma_semaphore, #tpu.memory_space<semaphore_mem>>
      %dma_start3A_33 = arith.constant 0 : i32
      %dma_start3A_34 = tpu.memref_slice %arg4[%add3A_4, %dma_start3A_33] : memref<409600x16xf32, #tpu.memory_space<hbm>> -> memref<3200x16xf32, #tpu.memory_space<hbm>>
      %dma_start3A_35 = arith.constant 0 : i32
      %dma_start3A_36 = tpu.memref_slice %arg4[%add3A_4, %dma_start3A_35] : memref<409600x16xf32, #tpu.memory_space<hbm>> -> memref<3200x16xf32, #tpu.memory_space<hbm>>
      tpu.enqueue_dma source(%arg6 : memref<3200x16xf32, #tpu.memory_space<vmem>>) target(%dma_start3A_36 : memref<3200x16xf32, #tpu.memory_space<hbm>>) target_semaphore(%run_scoped3A : memref<!tpu.dma_semaphore, #tpu.memory_space<semaphore_mem>>)
      %dma_wait3A_37 = arith.constant 0 : i32
      %dma_wait3A_38 = tpu.memref_slice %arg4[%add3A_4, %dma_wait3A_37] : memref<409600x16xf32, #tpu.memory_space<hbm>> -> memref<3200x16xf32, #tpu.memory_space<hbm>>
      %dma_wait3A_39 = arith.constant 0 : i32
      %dma_wait3A_40 = tpu.memref_slice %arg4[%add3A_4, %dma_wait3A_39] : memref<409600x16xf32, #tpu.memory_space<hbm>> -> memref<3200x16xf32, #tpu.memory_space<hbm>>
      tpu.wait_dma2 semaphore(%run_scoped3A : memref<!tpu.dma_semaphore, #tpu.memory_space<semaphore_mem>>) src(%arg6 : memref<3200x16xf32, #tpu.memory_space<vmem>>) dst(%dma_wait3A_40 : memref<3200x16xf32, #tpu.memory_space<hbm>>)
      tpu.yield
    }) : () -> ()
    %add3A_9 = arith.constant 3200 : i32
    %add3A_10 = arith.addi %mul3A_2, %add3A_9 : i32
    "tpu.region"() ({
      %run_scoped3A = tpu.sem_alloc : memref<!tpu.dma_semaphore, #tpu.memory_space<semaphore_mem>>
      %dma_start3A_33 = tpu.memref_slice %arg3[%add3A_10] : memref<409600xi32, #tpu.memory_space<hbm>> -> memref<3200xi32, #tpu.memory_space<hbm>>
      %dma_start3A_34 = tpu.memref_slice %arg3[%add3A_10] : memref<409600xi32, #tpu.memory_space<hbm>> -> memref<3200xi32, #tpu.memory_space<hbm>>
      tpu.enqueue_dma source(%dma_start3A_34 : memref<3200xi32, #tpu.memory_space<hbm>>) target(%arg5 : memref<3200xi32, #tpu.memory_space<vmem>>) target_semaphore(%run_scoped3A : memref<!tpu.dma_semaphore, #tpu.memory_space<semaphore_mem>>)
      %dma_wait3A_35 = tpu.memref_slice %arg3[%add3A_10] : memref<409600xi32, #tpu.memory_space<hbm>> -> memref<3200xi32, #tpu.memory_space<hbm>>
      %dma_wait3A_36 = tpu.memref_slice %arg3[%add3A_10] : memref<409600xi32, #tpu.memory_space<hbm>> -> memref<3200xi32, #tpu.memory_space<hbm>>
      tpu.wait_dma2 semaphore(%run_scoped3A : memref<!tpu.dma_semaphore, #tpu.memory_space<semaphore_mem>>) src(%dma_wait3A_36 : memref<3200xi32, #tpu.memory_space<hbm>>) dst(%arg5 : memref<3200xi32, #tpu.memory_space<vmem>>)
      tpu.yield
    }) : () -> ()
    %dma_start3A_11 = arith.constant 0 : i32
    %dma_start3A_12 = arith.constant 0 : i32
    %dma_start3A_13 = tpu.memref_slice %arg2[%dma_start3A_11, %dma_start3A_12] : memref<8192x16xf32, #tpu.memory_space<hbm>> -> memref<8192x16xf32, #tpu.memory_space<hbm>>
    tpu.enqueue_indirect_dma source(%dma_start3A_13 : memref<8192x16xf32, #tpu.memory_space<hbm>>) target(%arg6 : memref<3200x16xf32, #tpu.memory_space<vmem>>) offsets(%arg5 : memref<3200xi32, #tpu.memory_space<vmem>>) semaphore(%arg7 : memref<!tpu.dma_semaphore, #tpu.memory_space<semaphore_mem>>)
    %dma_wait3A_14 = arith.constant 0 : i32
    %dma_wait3A_15 = arith.constant 0 : i32
    %dma_wait3A_16 = tpu.memref_slice %arg2[%dma_wait3A_14, %dma_wait3A_15] : memref<8192x16xf32, #tpu.memory_space<hbm>> -> memref<8192x16xf32, #tpu.memory_space<hbm>>
    tpu.wait_indirect_dma semaphore(%arg7 : memref<!tpu.dma_semaphore, #tpu.memory_space<semaphore_mem>>) src(%dma_wait3A_16 : memref<8192x16xf32, #tpu.memory_space<hbm>>) dst(%arg6 : memref<3200x16xf32, #tpu.memory_space<vmem>>)
    "tpu.region"() ({
      %run_scoped3A = tpu.sem_alloc : memref<!tpu.dma_semaphore, #tpu.memory_space<semaphore_mem>>
      %dma_start3A_33 = arith.constant 0 : i32
      %dma_start3A_34 = tpu.memref_slice %arg4[%add3A_10, %dma_start3A_33] : memref<409600x16xf32, #tpu.memory_space<hbm>> -> memref<3200x16xf32, #tpu.memory_space<hbm>>
      %dma_start3A_35 = arith.constant 0 : i32
      %dma_start3A_36 = tpu.memref_slice %arg4[%add3A_10, %dma_start3A_35] : memref<409600x16xf32, #tpu.memory_space<hbm>> -> memref<3200x16xf32, #tpu.memory_space<hbm>>
      tpu.enqueue_dma source(%arg6 : memref<3200x16xf32, #tpu.memory_space<vmem>>) target(%dma_start3A_36 : memref<3200x16xf32, #tpu.memory_space<hbm>>) target_semaphore(%run_scoped3A : memref<!tpu.dma_semaphore, #tpu.memory_space<semaphore_mem>>)
      %dma_wait3A_37 = arith.constant 0 : i32
      %dma_wait3A_38 = tpu.memref_slice %arg4[%add3A_10, %dma_wait3A_37] : memref<409600x16xf32, #tpu.memory_space<hbm>> -> memref<3200x16xf32, #tpu.memory_space<hbm>>
      %dma_wait3A_39 = arith.constant 0 : i32
      %dma_wait3A_40 = tpu.memref_slice %arg4[%add3A_10, %dma_wait3A_39] : memref<409600x16xf32, #tpu.memory_space<hbm>> -> memref<3200x16xf32, #tpu.memory_space<hbm>>
      tpu.wait_dma2 semaphore(%run_scoped3A : memref<!tpu.dma_semaphore, #tpu.memory_space<semaphore_mem>>) src(%arg6 : memref<3200x16xf32, #tpu.memory_space<vmem>>) dst(%dma_wait3A_40 : memref<3200x16xf32, #tpu.memory_space<hbm>>)
      tpu.yield
    }) : () -> ()
    %add3A_17 = arith.constant 6400 : i32
    %add3A_18 = arith.addi %mul3A_2, %add3A_17 : i32
    "tpu.region"() ({
      %run_scoped3A = tpu.sem_alloc : memref<!tpu.dma_semaphore, #tpu.memory_space<semaphore_mem>>
      %dma_start3A_33 = tpu.memref_slice %arg3[%add3A_18] : memref<409600xi32, #tpu.memory_space<hbm>> -> memref<3200xi32, #tpu.memory_space<hbm>>
      %dma_start3A_34 = tpu.memref_slice %arg3[%add3A_18] : memref<409600xi32, #tpu.memory_space<hbm>> -> memref<3200xi32, #tpu.memory_space<hbm>>
      tpu.enqueue_dma source(%dma_start3A_34 : memref<3200xi32, #tpu.memory_space<hbm>>) target(%arg5 : memref<3200xi32, #tpu.memory_space<vmem>>) target_semaphore(%run_scoped3A : memref<!tpu.dma_semaphore, #tpu.memory_space<semaphore_mem>>)
      %dma_wait3A_35 = tpu.memref_slice %arg3[%add3A_18] : memref<409600xi32, #tpu.memory_space<hbm>> -> memref<3200xi32, #tpu.memory_space<hbm>>
      %dma_wait3A_36 = tpu.memref_slice %arg3[%add3A_18] : memref<409600xi32, #tpu.memory_space<hbm>> -> memref<3200xi32, #tpu.memory_space<hbm>>
      tpu.wait_dma2 semaphore(%run_scoped3A : memref<!tpu.dma_semaphore, #tpu.memory_space<semaphore_mem>>) src(%dma_wait3A_36 : memref<3200xi32, #tpu.memory_space<hbm>>) dst(%arg5 : memref<3200xi32, #tpu.memory_space<vmem>>)
      tpu.yield
    }) : () -> ()
    %dma_start3A_19 = arith.constant 0 : i32
    %dma_start3A_20 = arith.constant 0 : i32
    %dma_start3A_21 = tpu.memref_slice %arg2[%dma_start3A_19, %dma_start3A_20] : memref<8192x16xf32, #tpu.memory_space<hbm>> -> memref<8192x16xf32, #tpu.memory_space<hbm>>
    tpu.enqueue_indirect_dma source(%dma_start3A_21 : memref<8192x16xf32, #tpu.memory_space<hbm>>) target(%arg6 : memref<3200x16xf32, #tpu.memory_space<vmem>>) offsets(%arg5 : memref<3200xi32, #tpu.memory_space<vmem>>) semaphore(%arg7 : memref<!tpu.dma_semaphore, #tpu.memory_space<semaphore_mem>>)
    %dma_wait3A_22 = arith.constant 0 : i32
    %dma_wait3A_23 = arith.constant 0 : i32
    %dma_wait3A_24 = tpu.memref_slice %arg2[%dma_wait3A_22, %dma_wait3A_23] : memref<8192x16xf32, #tpu.memory_space<hbm>> -> memref<8192x16xf32, #tpu.memory_space<hbm>>
    tpu.wait_indirect_dma semaphore(%arg7 : memref<!tpu.dma_semaphore, #tpu.memory_space<semaphore_mem>>) src(%dma_wait3A_24 : memref<8192x16xf32, #tpu.memory_space<hbm>>) dst(%arg6 : memref<3200x16xf32, #tpu.memory_space<vmem>>)
    "tpu.region"() ({
      %run_scoped3A = tpu.sem_alloc : memref<!tpu.dma_semaphore, #tpu.memory_space<semaphore_mem>>
      %dma_start3A_33 = arith.constant 0 : i32
      %dma_start3A_34 = tpu.memref_slice %arg4[%add3A_18, %dma_start3A_33] : memref<409600x16xf32, #tpu.memory_space<hbm>> -> memref<3200x16xf32, #tpu.memory_space<hbm>>
      %dma_start3A_35 = arith.constant 0 : i32
      %dma_start3A_36 = tpu.memref_slice %arg4[%add3A_18, %dma_start3A_35] : memref<409600x16xf32, #tpu.memory_space<hbm>> -> memref<3200x16xf32, #tpu.memory_space<hbm>>
      tpu.enqueue_dma source(%arg6 : memref<3200x16xf32, #tpu.memory_space<vmem>>) target(%dma_start3A_36 : memref<3200x16xf32, #tpu.memory_space<hbm>>) target_semaphore(%run_scoped3A : memref<!tpu.dma_semaphore, #tpu.memory_space<semaphore_mem>>)
      %dma_wait3A_37 = arith.constant 0 : i32
      %dma_wait3A_38 = tpu.memref_slice %arg4[%add3A_18, %dma_wait3A_37] : memref<409600x16xf32, #tpu.memory_space<hbm>> -> memref<3200x16xf32, #tpu.memory_space<hbm>>
      %dma_wait3A_39 = arith.constant 0 : i32
      %dma_wait3A_40 = tpu.memref_slice %arg4[%add3A_18, %dma_wait3A_39] : memref<409600x16xf32, #tpu.memory_space<hbm>> -> memref<3200x16xf32, #tpu.memory_space<hbm>>
      tpu.wait_dma2 semaphore(%run_scoped3A : memref<!tpu.dma_semaphore, #tpu.memory_space<semaphore_mem>>) src(%arg6 : memref<3200x16xf32, #tpu.memory_space<vmem>>) dst(%dma_wait3A_40 : memref<3200x16xf32, #tpu.memory_space<hbm>>)
      tpu.yield
    }) : () -> ()
    %add3A_25 = arith.constant 9600 : i32
    %add3A_26 = arith.addi %mul3A_2, %add3A_25 : i32
    "tpu.region"() ({
      %run_scoped3A = tpu.sem_alloc : memref<!tpu.dma_semaphore, #tpu.memory_space<semaphore_mem>>
      %dma_start3A_33 = tpu.memref_slice %arg3[%add3A_26] : memref<409600xi32, #tpu.memory_space<hbm>> -> memref<3200xi32, #tpu.memory_space<hbm>>
      %dma_start3A_34 = tpu.memref_slice %arg3[%add3A_26] : memref<409600xi32, #tpu.memory_space<hbm>> -> memref<3200xi32, #tpu.memory_space<hbm>>
      tpu.enqueue_dma source(%dma_start3A_34 : memref<3200xi32, #tpu.memory_space<hbm>>) target(%arg5 : memref<3200xi32, #tpu.memory_space<vmem>>) target_semaphore(%run_scoped3A : memref<!tpu.dma_semaphore, #tpu.memory_space<semaphore_mem>>)
      %dma_wait3A_35 = tpu.memref_slice %arg3[%add3A_26] : memref<409600xi32, #tpu.memory_space<hbm>> -> memref<3200xi32, #tpu.memory_space<hbm>>
      %dma_wait3A_36 = tpu.memref_slice %arg3[%add3A_26] : memref<409600xi32, #tpu.memory_space<hbm>> -> memref<3200xi32, #tpu.memory_space<hbm>>
      tpu.wait_dma2 semaphore(%run_scoped3A : memref<!tpu.dma_semaphore, #tpu.memory_space<semaphore_mem>>) src(%dma_wait3A_36 : memref<3200xi32, #tpu.memory_space<hbm>>) dst(%arg5 : memref<3200xi32, #tpu.memory_space<vmem>>)
      tpu.yield
    }) : () -> ()
    %dma_start3A_27 = arith.constant 0 : i32
    %dma_start3A_28 = arith.constant 0 : i32
    %dma_start3A_29 = tpu.memref_slice %arg2[%dma_start3A_27, %dma_start3A_28] : memref<8192x16xf32, #tpu.memory_space<hbm>> -> memref<8192x16xf32, #tpu.memory_space<hbm>>
    tpu.enqueue_indirect_dma source(%dma_start3A_29 : memref<8192x16xf32, #tpu.memory_space<hbm>>) target(%arg6 : memref<3200x16xf32, #tpu.memory_space<vmem>>) offsets(%arg5 : memref<3200xi32, #tpu.memory_space<vmem>>) semaphore(%arg7 : memref<!tpu.dma_semaphore, #tpu.memory_space<semaphore_mem>>)
    %dma_wait3A_30 = arith.constant 0 : i32
    %dma_wait3A_31 = arith.constant 0 : i32
    %dma_wait3A_32 = tpu.memref_slice %arg2[%dma_wait3A_30, %dma_wait3A_31] : memref<8192x16xf32, #tpu.memory_space<hbm>> -> memref<8192x16xf32, #tpu.memory_space<hbm>>
    tpu.wait_indirect_dma semaphore(%arg7 : memref<!tpu.dma_semaphore, #tpu.memory_space<semaphore_mem>>) src(%dma_wait3A_32 : memref<8192x16xf32, #tpu.memory_space<hbm>>) dst(%arg6 : memref<3200x16xf32, #tpu.memory_space<vmem>>)
    "tpu.region"() ({
      %run_scoped3A = tpu.sem_alloc : memref<!tpu.dma_semaphore, #tpu.memory_space<semaphore_mem>>
      %dma_start3A_33 = arith.constant 0 : i32
      %dma_start3A_34 = tpu.memref_slice %arg4[%add3A_26, %dma_start3A_33] : memref<409600x16xf32, #tpu.memory_space<hbm>> -> memref<3200x16xf32, #tpu.memory_space<hbm>>
      %dma_start3A_35 = arith.constant 0 : i32
      %dma_start3A_36 = tpu.memref_slice %arg4[%add3A_26, %dma_start3A_35] : memref<409600x16xf32, #tpu.memory_space<hbm>> -> memref<3200x16xf32, #tpu.memory_space<hbm>>
      tpu.enqueue_dma source(%arg6 : memref<3200x16xf32, #tpu.memory_space<vmem>>) target(%dma_start3A_36 : memref<3200x16xf32, #tpu.memory_space<hbm>>) target_semaphore(%run_scoped3A : memref<!tpu.dma_semaphore, #tpu.memory_space<semaphore_mem>>)
      %dma_wait3A_37 = arith.constant 0 : i32
      %dma_wait3A_38 = tpu.memref_slice %arg4[%add3A_26, %dma_wait3A_37] : memref<409600x16xf32, #tpu.memory_space<hbm>> -> memref<3200x16xf32, #tpu.memory_space<hbm>>
      %dma_wait3A_39 = arith.constant 0 : i32
      %dma_wait3A_40 = tpu.memref_slice %arg4[%add3A_26, %dma_wait3A_39] : memref<409600x16xf32, #tpu.memory_space<hbm>> -> memref<3200x16xf32, #tpu.memory_space<hbm>>
      tpu.wait_dma2 semaphore(%run_scoped3A : memref<!tpu.dma_semaphore, #tpu.memory_space<semaphore_mem>>) src(%arg6 : memref<3200x16xf32, #tpu.memory_space<vmem>>) dst(%dma_wait3A_40 : memref<3200x16xf32, #tpu.memory_space<hbm>>)
      tpu.yield
    }) : () -> ()
    return
  }
}

module attributes {stable_mosaic.version = 14 : i64} {
  func.func @_topk_kernel(%arg0: i32, %arg1: memref<256x8192xf32, #tpu.memory_space<vmem>>, %arg2: memref<50x256xi32, #tpu.memory_space<vmem>>) attributes {dimension_semantics = [#tpu.dimension_semantics<arbitrary>], iteration_bounds = array<i64: 32>, scalar_prefetch = 0 : i64, scratch_operands = 0 : i64, tpu.core_type = #tpu.core_type<tc>, window_params = [{transform_indices = @transform_0, window_bounds = array<i64: 256, 8192>}, {transform_indices = @transform_1, window_bounds = array<i64: 50, 256>}]} {
    %get3A = arith.constant 0 : index
    %get3A_0 = arith.constant 0 : index
    %get3A_1 = vector.load %arg1[%get3A, %get3A_0] : memref<256x8192xf32, #tpu.memory_space<vmem>>, vector<256x8192xf32>
    %iota3A = tpu.iota {dimensions = array<i32: 1>} : vector<256x8192xi32>
    %scan3A = arith.constant 0 : i32
    %scan3A_2 = arith.constant 50 : i32
    %scan3A_3 = arith.addi %scan3A, %scan3A_2 : i32
    %scan3A_4 = arith.constant 1 : i32
    %scan3A_5 = scf.for %scan3A_7 = %scan3A to %scan3A_3 step %scan3A_4 iter_args(%scan3A_8 = %get3A_1) -> (vector<256x8192xf32>)  : i32 {
      %argmin3A = tpu.reduce_index %scan3A_8 {axis = 1 : i32, kind = #tpu.reduction_kind<arg_min>} : vector<256x8192xf32> -> vector<256xi32>
      %broadcast_in_dim3A = vector.shape_cast %argmin3A : vector<256xi32> to vector<1x256xi32>
      %swap3A = arith.index_cast %scan3A_7 : i32 to index
      %swap3A_9 = arith.constant 0 : index
      %swap3A_10 = vector.load %arg2[%swap3A, %swap3A_9] : memref<50x256xi32, #tpu.memory_space<vmem>>, vector<1x256xi32>
      tpu.vector_store %arg2[%swap3A, %swap3A_9], %broadcast_in_dim3A {strides = array<i32>} : memref<50x256xi32, #tpu.memory_space<vmem>>, vector<1x256xi32>,
      %broadcast_in_dim3A_11 = vector.shape_cast %argmin3A : vector<256xi32> to vector<256x1xi32>
      %eq3A = vector.broadcast %broadcast_in_dim3A_11 : vector<256x1xi32> to vector<256x8192xi32>
      %eq3A_12 = arith.cmpi eq, %iota3A, %eq3A : vector<256x8192xi32>
      %jit3A = arith.constant 0x7F800000 : f32
      %broadcast_in_dim3A_13 = vector.broadcast %jit3A : f32 to vector<256x8192xf32>
      %select_n3A = arith.select %eq3A_12, %broadcast_in_dim3A_13, %scan3A_8 : vector<256x8192xi1>, vector<256x8192xf32>
      scf.yield %select_n3A : vector<256x8192xf32>
    }
    %scan3A_6 = arith.constant 50 : i32
    return
  }
  func.func @transform_0(%arg0: i32) -> (i32, i32) {
    %c0_i32 = arith.constant 0 : i32
    %c0_i32_0 = arith.constant 0 : i32
    return %arg0, %c0_i32 : i32, i32
  }
  func.func @transform_1(%arg0: i32) -> (i32, i32) {
    %c0_i32 = arith.constant 0 : i32
    %c0_i32_0 = arith.constant 0 : i32
    return %c0_i32, %arg0 : i32, i32
  }
}

</mosaic_0001>

<sc_bundles>
// kernel: kernel.4.cloned.1.call-start
scs
__scs_entry_jumppad:
0x0: {  	(pc) =	sbr.rel $0x88, $3  }
0x1: {  	(tag) =	ssettag $0x0;
	lr =	simm.s32 $0x1  }
0x2: {  	[smem:$0x3FA0] =	sst lr;
	_ =	strace $0xD0000000  }
0x3: {  	_ = 	snop  }
0x4: {  	_ = 	snop  }
0x5: {  	_ = 	snop  }
0x6: {  	_ = 	snop  }
0x7: {  	_ = 	snop  }
__scs_overlays_trampoline_lowered:
0x8: {  	[smem:$0x3FAF] =	sst s0  }
0x9: {  	[smem:$0x3FB0] =	sst s1  }
0xa: {  	[smem:$0x3FB1] =	sst s2  }
0xb: {  	[smem:$0x3FB2] =	sst s3  }
0xc: {  	[smem:$0x3FB3] =	sst s4  }
0xd: {  	[smem:$0x3FB4] =	sst s5  }
0xe: {  	[smem:$0x3FB5] =	sst s6  }
0xf: {  	[smem:$0x3FB6] =	sst s7  }
0x10: {  	[smem:$0x3FB7] =	sst s8  }
0x11: {  	[smem:$0x3FB8] =	sst s9;
	s0 =	simm.s32 @!p0 $0x0  }
0x12: {  	s1 =	sld [smem:$0x3F9E];
	s0 =	simm.s32 @p0 $0x1  }
0x13: {  	[smem:$0x3FB9] =	sst s0;
	s0 =	simm.s32 @!p1 $0x0  }
0x14: {  	s2 =	sld [smem:$0x3F9D];
	s0 =	simm.s32 @p1 $0x1  }
0x15: {  	[smem:$0x3FBA] =	sst s0;
	s0 =	simm.s32 @!p2 $0x0  }
0x16: {  	s3 =	sld [smem:$0x3FDB];
	s0 =	simm.s32 @p2 $0x1  }
0x17: {  	s4 =	simm.s32 $0x1BF5;
	[smem:$0x3FBC] =	sst s0  }
0x18: {  	s0 =	sld [smem:$0x3F9F];
	_ =	swait.ge [sflag:s4], $0x0  }
0x19: {  	s7 =	sld [smem:$0x3FA0]  }
0x1a: {  	s8 =	sadd.s32 $0xFFFFE003, lr  }
0x1b: {  	s9 =	sadd.s32 $0xFFFFFEF7, lr;
	s5 =	simm.s32 $0xFFFFFFFF;
	p2 =	slt.u32 s8, $0xFFFFF086  }
0x1c: {  	p1 =	slt.u32 s9, $0xF7A;
	s5 =	simm.s32 @!p2 $0x0  }
0x1d: {  	s5 =	simm.s32 @p1 $0x1;
	p0 =	seq.s32 s7, s2  }
0x1e: {  	s7 =	smul.u32 @!p0 $0xF7A, s2;
	p2 =	seq.s32 @!p0 s5, $0x0  }
0x1f: {  	s9 =	smul.u32 $0xF7A, s1;
	s8 =	simm.s32 @!p0 $0x1BF5;
	p2 =	por !p2, p0  }
0x20: {  	[sflag:s8] =	ssyncset.s32 @!p0 $0xFFFFF086;
	s6 =	sadd.s32 @!p0 s3, s7;
	s7 =	simm.s32 @!p0 $0x108  }
0x21: {  	s3 =	sadd.s32 s3, s9;
	s6 =	sadd.s32 @!p0 $0x88, s6;
	s7 =	simm.s32 @p2 $0x1082  }
0x22: {  	[simem:s7], [sflag:s8] =	dma.local @!p0 [hbm:s6], $0xF7A  }
0x23: {  	s9 =	sor.u32 $0xD0000000, s2;
	s6 =	simm.s32 $0x108;
	_ =	swait.ge @!p0 [sflag:s8], $0x0  }
0x24: {  	s3 =	sadd.s32 $0x88, s3;
	s6 =	simm.s32 @!p1 $0x1082;
	[sflag:s4] =	ssyncset.s32 $0xFFFFF086  }
0x25: {  	[simem:s6], [sflag:s4] =	dma.local [hbm:s3], $0xF7A  }
0x26: {  	[smem:$0x3FA0] =	sst s1;
	(tag) =	ssettag s2;
	_ =	strace s9  }
0x27: {  	s1 =	sld [smem:$0x3FB0]  }
0x28: {  	s2 =	sld [smem:$0x3FB1]  }
0x29: {  	s4 =	sld [smem:$0x3FB3]  }
0x2a: {  	p0 =	seq.s32 s5, $0x0;
	s5 =	sld [smem:$0x3FB4]  }
0x2b: {  	s6 =	sld [smem:$0x3FB5]  }
0x2c: {  	s7 =	sld [smem:$0x3FB6]  }
0x2d: {  	s3 =	simm.s32 $0x108;
	s8 =	sld [smem:$0x3FB7]  }
0x2e: {  	s3 =	simm.s32 @!p0 $0x1082;
	s9 =	sld [smem:$0x3FB8]  }
0x2f: {  	lr =	sadd.s32 s0, s3;
	s0 =	sld [smem:$0x3FAF]  }
0x30: {  	s3 =	sld [smem:$0x3FB2]  }
0x31: {  	[smem:$0x3FBB] =	sst s10  }
0x32: {  	s10 =	sld [smem:$0x3FB9];
	_ =	sdelay $0x3  }
0x33: {  	p0 =	seq.s32 s10, $0x1;
	s10 =	sld [smem:$0x3FBB];
	_ =	sdelay $0x3  }
0x34: {  	[smem:$0x3FBB] =	sst s10  }
0x35: {  	s10 =	sld [smem:$0x3FBA];
	_ =	sdelay $0x3  }
0x36: {  	p1 =	seq.s32 s10, $0x1;
	s10 =	sld [smem:$0x3FBB];
	_ =	sdelay $0x3  }
0x37: {  	[smem:$0x3FBB] =	sst s10  }
0x38: {  	s10 =	sld [smem:$0x3FBC]  }
0x39: {  	_ = 	snop;
	(pc) =	sbr.ind lr, $3  }
0x3a: {  	_ = 	snop  }
0x3b: {  	_ = 	snop  }
0x3c: {  	p2 =	seq.s32 s10, $0x1;
	s10 =	sld [smem:$0x3FBB]  }
0x3d: {  	_ =	shalt  }
0x3e: {  	_ =	shalt  }
0x3f: {  	_ =	shalt  }
0x40: {  	_ =	shalt  }
0x41: {  	_ =	shalt  }
0x42: {  	_ =	shalt  }
0x43: {  	_ =	shalt  }
0x44: {  	_ =	shalt  }
0x45: {  	_ =	shalt  }
0x46: {  	_ =	shalt  }
0x47: {  	_ =	shalt  }
0x48: {  	_ =	shalt  }
0x49: {  	_ =	shalt  }
0x4a: {  	_ =	shalt  }
0x4b: {  	_ =	shalt  }
0x4c: {  	_ =	shalt  }
0x4d: {  	_ =	shalt  }
0x4e: {  	_ =	shalt  }
0x4f: {  	_ =	shalt  }
0x50: {  	_ =	shalt  }
0x51: {  	_ =	shalt  }
0x52: {  	_ =	shalt  }
0x53: {  	_ =	shalt  }
0x54: {  	_ =	shalt  }
0x55: {  	_ =	shalt  }
0x56: {  	_ =	shalt  }
0x57: {  	_ =	shalt  }
0x58: {  	_ =	shalt  }
0x59: {  	_ =	shalt  }
0x5a: {  	_ =	shalt  }
0x5b: {  	_ =	shalt  }
0x5c: {  	_ =	shalt  }
0x5d: {  	_ =	shalt  }
0x5e: {  	_ =	shalt  }
0x5f: {  	_ =	shalt  }
0x60: {  	_ =	shalt  }
0x61: {  	_ =	shalt  }
0x62: {  	_ =	shalt  }
0x63: {  	_ =	shalt  }
0x64: {  	_ =	shalt  }
0x65: {  	_ =	shalt  }
0x66: {  	_ =	shalt  }
0x67: {  	_ =	shalt  }
0x68: {  	_ =	shalt  }
0x69: {  	_ =	shalt  }
0x6a: {  	_ =	shalt  }
0x6b: {  	_ =	shalt  }
0x6c: {  	_ =	shalt  }
0x6d: {  	_ =	shalt  }
0x6e: {  	_ =	shalt  }
0x6f: {  	_ =	shalt  }
0x70: {  	_ =	shalt  }
0x71: {  	_ =	shalt  }
0x72: {  	_ =	shalt  }
0x73: {  	_ =	shalt  }
0x74: {  	_ =	shalt  }
0x75: {  	_ =	shalt  }
0x76: {  	_ =	shalt  }
0x77: {  	_ =	shalt  }
0x78: {  	_ =	shalt  }
0x79: {  	_ =	shalt  }
0x7a: {  	_ =	shalt  }
0x7b: {  	_ =	shalt  }
0x7c: {  	_ =	shalt  }
0x7d: {  	_ =	shalt  }
0x7e: {  	_ =	shalt  }
0x7f: {  	_ =	shalt  }
0x80: {  	_ =	shalt  }
0x81: {  	_ =	shalt  }
0x82: {  	_ =	shalt  }
0x83: {  	_ =	shalt  }
0x84: {  	_ =	shalt  }
0x85: {  	_ =	shalt  }
0x86: {  	_ =	shalt  }
0x87: {  	_ =	shalt  }
.Lfunc_end0:
.L_simem_size_0:
called_computation_lowered:
.L_overlay_start_0:
0x88: {  	s2 =	sld [smem:$0x3FD9]  }
0x89: {  	s3 =	sld [smem:$0x3FFE];
	_ =	sdelay $0x1  }
0x8a: {  	s1 =	srdreg.scid  }
0x8b: {  	s0 =	sand.u32 $0x1, s1  }
0x8c: {  	s16 =	sshll.u32 s0, $0xA;
	s2 =	sadd.s32 s3, s2  }
0x8d: {  	s2 =	sadd.s32 s2, s16  }
0x8e: {  	[smem:$0x3FC7] =	sst s2  }
0x8f: {  	_ = 	snop  }
0x90: {  	(tm) =	ssettm $0x1  }
0x91: {  	s17 =	sld [smem:$0x3FFB];
	_ =	sdelay $0x3  }
0x92: {  	_ =	strace s17  }
0x93: {  	s2 =	sld [smem:$0x3FFC];
	_ =	sdelay $0x3  }
0x94: {  	_ =	strace s2  }
0x95: {  	s2 =	sld [smem:$0x3FFD];
	_ =	sdelay $0x3  }
0x96: {  	_ =	strace s2  }
0x97: {  	_ =	strace $0x8FFFFFFF  }
0x98: {  	s18 =	sld [smem:$0x3FDB];
	_ =	sdelay $0x1  }
0x99: {  	s19 =	simm.s32 $_scs_section_size  }
0x9a: {  	s4 =	simm.s32 $_size__tile_overlayer_lowered;
	s5 =	simm.s32 $_tile_overlayer_lowered  }
0x9b: {  	s22 =	simm.s32 $0x1BFF;
	s21 =	sshll.u32 s5, $0x1;
	s2 =	sadd.s32 s19, s18  }
0x9c: {  	s6 =	simm.s32 $0x0;
	s20 =	sshll.u32 s4, $0x1;
	s4 =	sadd.s32 s21, s2  }
0x9d: {  	[timem:s6], [sflag:s22] =	dma.local [hbm:s4], s20  }
0x9e: {  	_ =	swait.ge [sflag:s22], s20  }
0x9f: {  	s3 =	ssub.s32 $0x0, s20;
	[sflag:s22] =	ssyncset.done $0x0  }
0xa0: {  	[sflag:s22] =	ssyncadd.s32 s3;
	_ =	sdelay $0x1  }
0xa1: {  	s23 =	simm.s32 $0x1B8B  }
0xa2: {  	_ =	swait.ge [sflag:s23], $0x1  }
0xa3: {  	[sflag:s23] =	ssyncset.done $0x0  }
0xa4: {  	s25 =	simm.s32 $0x1B8E;
	s24 =	sld [smem:$0x3FFE];
	[sflag:s23] =	ssyncadd.s32 $0xFFFFFFFF  }
0xa5: {  	s26 =	simm.s32 $execute0_lowered;
	[smem:$0x3FD2] =	sst s25  }
0xa6: {  	s4 =	sshll.u32 s26, $0x1;
	_ =	strace $0x80000046;
	[dreg:$0x1] =	wrdreg $0xFFFFFFFF  }
0xa7: {  	s28 =	simm.s32 $_size_execute0_lowered;
	s2 =	sadd.s32 s2, s4;
	[dreg:$0x0] =	wrdreg $0x0  }
0xa8: {  	s4 =	sshll.u32 s28, $0x1;
	[dreg:$0x2] =	wrdreg s2  }
0xa9: {  	[dreg:$0x3] =	wrdreg s4  }
0xaa: {  	[dreg:$0x4] =	wrdreg $0xC0  }
0xab: {  	_ =	task [dreg:s6], $0x5FFFF  }
0xac: {  	[dreg:$0x1] =	wrdreg $0xFFFFFFFF  }
0xad: {  	[dreg:$0x0] =	wrdreg $0x60  }
0xae: {  	[dreg:$0x2] =	wrdreg s24  }
0xaf: {  	[dreg:$0x3] =	wrdreg $0x9  }
0xb0: {  	_ =	task.clear_ibuf [dreg:s6], $0x4FFFF;
	_ =	strace $0x90000046  }
0xb1: {  	s29 =	simm.s32 $0x9;
	_ =	strace $0x80000048  }
0xb2: {  	_ =	swait.ge [sflag:s29], $0x1  }
0xb3: {  	[sflag:s29] =	ssyncadd.s32 $0xFFFFFFFF  }
0xb4: {  	_ =	strace $0x90000048  }
0xb5: {  	_ =	sfence  }
0xb6: {  	s30 =	sld [smem:$0x0];
	_ =	sdelay $0x2  }
0xb7: {  	s31 =	sshll.u32 s1, $0xD;
	s1 =	sshrl.u32 s1, $0x2  }
0xb8: {  	s3 =	sand.u32 $0x4000, s31;
	s1 =	sadd.s32 s1, s30  }
0xb9: {  	s0 =	sor.u32 s3, s0;
	s1 =	sshll.u32 s1, $0x11  }
0xba: {  	s0 =	sor.u32 s1, s0  }
0xbb: {  	s0 =	sadd.s32 $0x8F2B, s0  }
0xbc: {  	[sflag:s0] =	ssyncadd.remote.s32 $0x1  }
0xbd: {  	_ =	sfence.sel $0xFFFF  }
0xbe: {  	[dreg:$0x0] =	wrdreg $0xFFFFFFFF;
	(pc) =	sbr.abs _section_cstart, $3  }
0xbf: {  	[dreg:$0x1] =	wrdreg $0xFFFFFFFF  }
0xc0: {  	_ =	task.clear_ibuf [dreg:s6], $0x2FFFF;
	_ =	strace $0x9FFFFFFF  }
0xc1: {  	(tm) =	ssettm $0x7FFFFFFF  }
tec
execute0_lowered:
.L_overlay_start_1:
0x0: {  	(tag) =	ssettag $0x1  }
0x1: {  	s1 =	srdreg.scid;
	s0 =	stileid.u32  }
0x2: {  	s14 =	sand.u32 $0x1, s1;
	s28 =	sshll.u32 s0, $0x1  }
0x3: {  	s8 =	sor.u32 s14, s28  }
0x4: {  	s9 =	rddreg [dreg:$0x0];
	s13 =	smul.u32 $0x3200, s8  }
0x5: {  	s2 =	simm.s32 $0x0;
	s1 =	rddreg [dreg:$0x1]  }
0x6: {  	[smem:$0x7FF] =	sst s2;
	s15 =	sadd.s32 $0x20000, s9;
	s3 =	sshrl.u32 s13, $0x3  }
0x7: {  	_ =	strace $0x80000047;
	s4 =	sadd.s32 s15, s3;
	s3 =	simm.s32 $0x2  }
0x8: {  	[tilespmem:s2], [sflag:$0x2] =	stream.linear.gather [hbm4b:s4+s2], $0xC80, $0x38;
	[tilespmem:$0xD480] =	vst v63  }
0x9: {  	_ =	swait.ge [sflag:s3], $0xC80  }
0xa: {  	s6 =	simm.s32 $0xC80;
	[sflag:s3] =	ssyncset.done $0x0  }
0xb: {  	s7 =	simm.s32 $0x1;
	s5 =	sadd.s32 $0x2C800, s9;
	[sflag:s3] =	ssyncadd.s32 $0xFFFFF380  }
0xc: {  	[tilespmem:s6], [sflag:$0x1] =	stream.indirect.gather [hbm4b:s5+s6], $0x10, s2, s6, $0xb8;
	[tilespmem:$0xD480] =	vst v63  }
0xd: {  	s8 =	smul.u32 $0x6400, s8;
	_ =	swait.ge [sflag:s7], $0xC800  }
0xe: {  	s16 =	sadd.s32 $0x30800, s9;
	[sflag:s7] =	ssyncset.done $0x0  }
0xf: {  	s8 =	sadd.s32 s16, s8;
	[sflag:s7] =	ssyncadd.s32 $0xFFFF3800  }
0x10: {  	[hbm4b:s8+s2] =	stream.linear.scatter [tilespmem:s6], [sflag:$0x2], $0xC800, $0x38;
	[tilespmem:$0xD480] =	vst v63  }
0x11: {  	s10 =	sadd.s32 $0xC80, s13;
	_ =	swait.ge [sflag:s3], $0xC800  }
0x12: {  	s29 =	sshrl.u32 s10, $0x3;
	[sflag:s3] =	ssyncset.done $0x0  }
0x13: {  	s9 =	sadd.s32 s15, s29;
	[sflag:s3] =	ssyncadd.s32 $0xFFFF3800  }
0x14: {  	[tilespmem:s2], [sflag:$0x2] =	stream.linear.gather [hbm4b:s9+s2], $0xC80, $0x38;
	[tilespmem:$0xD480] =	vst v63  }
0x15: {  	_ =	swait.ge [sflag:s3], $0xC80  }
0x16: {  	[sflag:s3] =	ssyncset.done $0x0  }
0x17: {  	[sflag:s3] =	ssyncadd.s32 $0xFFFFF380  }
0x18: {  	[tilespmem:s6], [sflag:$0x1] =	stream.indirect.gather [hbm4b:s5+s6], $0x10, s2, s6, $0xb8;
	[tilespmem:$0xD480] =	vst v63  }
0x19: {  	_ =	swait.ge [sflag:s7], $0xC800  }
0x1a: {  	s10 =	sshll.u32 s10, $0x1;
	[sflag:s7] =	ssyncset.done $0x0  }
0x1b: {  	s10 =	sadd.s32 s16, s10;
	[sflag:s7] =	ssyncadd.s32 $0xFFFF3800  }
0x1c: {  	[hbm4b:s10+s2] =	stream.linear.scatter [tilespmem:s6], [sflag:$0x2], $0xC800, $0x38;
	[tilespmem:$0xD480] =	vst v63  }
0x1d: {  	s12 =	sadd.s32 $0x1900, s13;
	_ =	swait.ge [sflag:s3], $0xC800  }
0x1e: {  	s11 =	sshrl.u32 s12, $0x3;
	[sflag:s3] =	ssyncset.done $0x0  }
0x1f: {  	s11 =	sadd.s32 s15, s11;
	[sflag:s3] =	ssyncadd.s32 $0xFFFF3800  }
0x20: {  	[tilespmem:s2], [sflag:$0x2] =	stream.linear.gather [hbm4b:s11+s2], $0xC80, $0x38;
	[tilespmem:$0xD480] =	vst v63  }
0x21: {  	_ =	swait.ge [sflag:s3], $0xC80  }
0x22: {  	[sflag:s3] =	ssyncset.done $0x0  }
0x23: {  	[sflag:s3] =	ssyncadd.s32 $0xFFFFF380  }
0x24: {  	[tilespmem:s6], [sflag:$0x1] =	stream.indirect.gather [hbm4b:s5+s6], $0x10, s2, s6, $0xb8;
	[tilespmem:$0xD480] =	vst v63  }
0x25: {  	_ =	swait.ge [sflag:s7], $0xC800  }
0x26: {  	s12 =	sshll.u32 s12, $0x1;
	[sflag:s7] =	ssyncset.done $0x0  }
0x27: {  	s12 =	sadd.s32 s16, s12;
	[sflag:s7] =	ssyncadd.s32 $0xFFFF3800  }
0x28: {  	[hbm4b:s12+s2] =	stream.linear.scatter [tilespmem:s6], [sflag:$0x2], $0xC800, $0x38;
	[tilespmem:$0xD480] =	vst v63  }
0x29: {  	s17 =	sadd.s32 $0x2580, s13;
	_ =	swait.ge [sflag:s3], $0xC800  }
0x2a: {  	s13 =	sshrl.u32 s17, $0x3;
	[sflag:s3] =	ssyncset.done $0x0  }
0x2b: {  	s14 =	ssub.s32 $0x2, s14;
	s13 =	sadd.s32 s15, s13;
	[sflag:s3] =	ssyncadd.s32 $0xFFFF3800  }
0x2c: {  	[tilespmem:s2], [sflag:$0x2] =	stream.linear.gather [hbm4b:s13+s2], $0xC80, $0x38;
	[tilespmem:$0xD480] =	vst v63  }
0x2d: {  	s30 =	sshrl.u32 s14, $0x1;
	_ =	swait.ge [sflag:s3], $0xC80  }
0x2e: {  	s15 =	ssub.s32 s14, s30;
	[sflag:s3] =	ssyncset.done $0x0  }
0x2f: {  	s15 =	smax.u32 s15, $0x1;
	[sflag:s3] =	ssyncadd.s32 $0xFFFFF380  }
0x30: {  	[tilespmem:s6], [sflag:$0x1] =	stream.indirect.gather [hbm4b:s5+s6], $0x10, s2, s6, $0xb8;
	[tilespmem:$0xD480] =	vst v63  }
0x31: {  	p0 =	sne.s32 s15, $0x1;
	_ =	swait.ge [sflag:s7], $0xC800  }
.Ltmp0:
0x32: {  	s31 =	sshll.u32 s17, $0x1;
	[sflag:s7] =	ssyncset.done $0x0;
	(pc) =	sbr.rel @!p0 .LBB2_2-.Ltmp0, $4  }
0x33: {  	s14 =	sadd.s32 s16, s31;
	[sflag:s7] =	ssyncadd.s32 $0xFFFF3800  }
0x34: {  	[hbm4b:s14+s2] =	stream.linear.scatter [tilespmem:s6], [sflag:$0x2], $0xC800, $0x38;
	[tilespmem:$0xD480] =	vst v63  }
0x35: {  	_ =	swait.ge [sflag:s3], $0xC800  }
0x36: {  	s15 =	sadd.s32 $0xFFFFFFFF, s15;
	[sflag:s3] =	ssyncset.done $0x0  }
.LBB2_1:
0x37: {  	p0 =	sne.s32 s15, $0x1;
	s15 =	sadd.s32 $0xFFFFFFFF, s15;
	[sflag:s3] =	ssyncadd.s32 $0xFFFF3800  }
0x38: {  	[tilespmem:s2], [sflag:$0x2] =	stream.linear.gather [hbm4b:s4+s2], $0xC80, $0x38;
	[tilespmem:$0xD480] =	vst v63  }
0x39: {  	_ =	swait.ge [sflag:s3], $0xC80  }
0x3a: {  	[sflag:s3] =	ssyncset.done $0x0  }
0x3b: {  	[sflag:s3] =	ssyncadd.s32 $0xFFFFF380  }
0x3c: {  	[tilespmem:s6], [sflag:$0x1] =	stream.indirect.gather [hbm4b:s5+s6], $0x10, s2, s6, $0xb8;
	[tilespmem:$0xD480] =	vst v63  }
0x3d: {  	_ =	swait.ge [sflag:s7], $0xC800  }
0x3e: {  	[sflag:s7] =	ssyncset.done $0x0  }
0x3f: {  	[sflag:s7] =	ssyncadd.s32 $0xFFFF3800  }
0x40: {  	[hbm4b:s8+s2] =	stream.linear.scatter [tilespmem:s6], [sflag:$0x2], $0xC800, $0x38;
	[tilespmem:$0xD480] =	vst v63  }
0x41: {  	_ =	swait.ge [sflag:s3], $0xC800  }
0x42: {  	[sflag:s3] =	ssyncset.done $0x0  }
0x43: {  	[sflag:s3] =	ssyncadd.s32 $0xFFFF3800  }
0x44: {  	[tilespmem:s2], [sflag:$0x2] =	stream.linear.gather [hbm4b:s9+s2], $0xC80, $0x38;
	[tilespmem:$0xD480] =	vst v63  }
0x45: {  	_ =	swait.ge [sflag:s3], $0xC80  }
0x46: {  	[sflag:s3] =	ssyncset.done $0x0  }
0x47: {  	[sflag:s3] =	ssyncadd.s32 $0xFFFFF380  }
0x48: {  	[tilespmem:s6], [sflag:$0x1] =	stream.indirect.gather [hbm4b:s5+s6], $0x10, s2, s6, $0xb8;
	[tilespmem:$0xD480] =	vst v63  }
0x49: {  	_ =	swait.ge [sflag:s7], $0xC800  }
0x4a: {  	[sflag:s7] =	ssyncset.done $0x0  }
0x4b: {  	[sflag:s7] =	ssyncadd.s32 $0xFFFF3800  }
0x4c: {  	[hbm4b:s10+s2] =	stream.linear.scatter [tilespmem:s6], [sflag:$0x2], $0xC800, $0x38;
	[tilespmem:$0xD480] =	vst v63  }
0x4d: {  	_ =	swait.ge [sflag:s3], $0xC800  }
0x4e: {  	[sflag:s3] =	ssyncset.done $0x0  }
0x4f: {  	[sflag:s3] =	ssyncadd.s32 $0xFFFF3800  }
0x50: {  	[tilespmem:s2], [sflag:$0x2] =	stream.linear.gather [hbm4b:s11+s2], $0xC80, $0x38;
	[tilespmem:$0xD480] =	vst v63  }
0x51: {  	_ =	swait.ge [sflag:s3], $0xC80  }
0x52: {  	[sflag:s3] =	ssyncset.done $0x0  }
0x53: {  	[sflag:s3] =	ssyncadd.s32 $0xFFFFF380  }
0x54: {  	[tilespmem:s6], [sflag:$0x1] =	stream.indirect.gather [hbm4b:s5+s6], $0x10, s2, s6, $0xb8;
	[tilespmem:$0xD480] =	vst v63  }
0x55: {  	_ =	swait.ge [sflag:s7], $0xC800  }
0x56: {  	[sflag:s7] =	ssyncset.done $0x0  }
0x57: {  	[sflag:s7] =	ssyncadd.s32 $0xFFFF3800  }
0x58: {  	[hbm4b:s12+s2] =	stream.linear.scatter [tilespmem:s6], [sflag:$0x2], $0xC800, $0x38;
	[tilespmem:$0xD480] =	vst v63  }
0x59: {  	_ =	swait.ge [sflag:s3], $0xC800  }
0x5a: {  	[sflag:s3] =	ssyncset.done $0x0  }
0x5b: {  	[sflag:s3] =	ssyncadd.s32 $0xFFFF3800  }
0x5c: {  	[tilespmem:s2], [sflag:$0x2] =	stream.linear.gather [hbm4b:s13+s2], $0xC80, $0x38;
	[tilespmem:$0xD480] =	vst v63  }
0x5d: {  	_ =	swait.ge [sflag:s3], $0xC80  }
0x5e: {  	[sflag:s3] =	ssyncset.done $0x0  }
0x5f: {  	[sflag:s3] =	ssyncadd.s32 $0xFFFFF380  }
0x60: {  	[tilespmem:s6], [sflag:$0x1] =	stream.indirect.gather [hbm4b:s5+s6], $0x10, s2, s6, $0xb8;
	[tilespmem:$0xD480] =	vst v63  }
0x61: {  	_ =	swait.ge [sflag:s7], $0xC800  }
.Ltmp1:
0x62: {  	[sflag:s7] =	ssyncset.done $0x0;
	(pc) =	sbr.rel @p0 .LBB2_1-.Ltmp1, $4  }
0x63: {  	[sflag:s7] =	ssyncadd.s32 $0xFFFF3800  }
0x64: {  	[hbm4b:s14+s2] =	stream.linear.scatter [tilespmem:s6], [sflag:$0x2], $0xC800, $0x38;
	[tilespmem:$0xD480] =	vst v63  }
0x65: {  	_ =	swait.ge [sflag:s3], $0xC800  }
0x66: {  	[sflag:s3] =	ssyncset.done $0x0  }
.LBB2_2:
0x67: {  	[sflag:s3] =	ssyncadd.s32 $0xFFFF3800  }
0x68: {  	_ =	sfence.sel $0x180000  }
0x69: {  	[bflag:$0x0] =	sbarrier.arrive $0xFFFF  }
0x6a: {  	p0 =	sne.s32 s0, $0x0;
	_ =	strace $0x90000047  }
0x6b: {  	s0 =	sadd.s32 @!p0 $0x100000, s1;
	[bflag:$0x2] =	sbarrier.arrive $0xFFFF  }
0x6c: {  	[sflag:s0] =	ssyncadd.tile.s32 @!p0 $0x1;
	_ =	shalt  }
.Lfunc_end2:
_tile_overlayer_lowered:
.L_overlay_start_2:
0x6d: {  	(tag) =	ssettag $0x2  }
0x6e: {  	s0 =	rddreg [dreg:$0x0];
	s2 =	stileid.u32  }
0x6f: {  	s1 =	rddreg [dreg:$0x1];
	p0 =	sne.s32 s2, $0x0  }
0x70: {  	s3 =	rddreg [dreg:$0x2];
	[bflag:$0x3] =	sbarrier.arrive $0xFFFF;
	s2 =	simm.s32 @!p0 $0x1C02  }
0x71: {  	[timem:s3], [sflag:s2] =	dma.local @!p0 [hbm:s0], s1  }
0x72: {  	s0 =	simm.s32 @!p0 $0x2  }
0x73: {  	_ =	swait.ge @!p0 [sflag:s0], s1  }
0x74: {  	s1 =	ssub.s32 @!p0 $0x0, s1;
	[sflag:s0] =	ssyncset.done @!p0 $0x0  }
0x75: {  	[sflag:s0] =	ssyncadd.s32 @!p0 s1  }
0x76: {  	[bflag:$0x3] =	sbarrier.arrive $0xFFFF  }
0x77: {  	_ =	shalt  }

// kernel: kernel.7.cloned.1.call-start
scs
__scs_entry_jumppad:
0x0: {  	(pc) =	sbr.rel $0x88, $3  }
0x1: {  	(tag) =	ssettag $0x0;
	lr =	simm.s32 $0x1  }
0x2: {  	[smem:$0x3FA0] =	sst lr;
	_ =	strace $0xD0000000  }
0x3: {  	_ = 	snop  }
0x4: {  	_ = 	snop  }
0x5: {  	_ = 	snop  }
0x6: {  	_ = 	snop  }
0x7: {  	_ = 	snop  }
__scs_overlays_trampoline_lowered:
0x8: {  	[smem:$0x3FAF] =	sst s0  }
0x9: {  	[smem:$0x3FB0] =	sst s1  }
0xa: {  	[smem:$0x3FB1] =	sst s2  }
0xb: {  	[smem:$0x3FB2] =	sst s3  }
0xc: {  	[smem:$0x3FB3] =	sst s4  }
0xd: {  	[smem:$0x3FB4] =	sst s5  }
0xe: {  	[smem:$0x3FB5] =	sst s6  }
0xf: {  	[smem:$0x3FB6] =	sst s7  }
0x10: {  	[smem:$0x3FB7] =	sst s8  }
0x11: {  	[smem:$0x3FB8] =	sst s9;
	s0 =	simm.s32 @!p0 $0x0  }
0x12: {  	s1 =	sld [smem:$0x3F9E];
	s0 =	simm.s32 @p0 $0x1  }
0x13: {  	[smem:$0x3FB9] =	sst s0;
	s0 =	simm.s32 @!p1 $0x0  }
0x14: {  	s2 =	sld [smem:$0x3F9D];
	s0 =	simm.s32 @p1 $0x1  }
0x15: {  	[smem:$0x3FBA] =	sst s0;
	s0 =	simm.s32 @!p2 $0x0  }
0x16: {  	s3 =	sld [smem:$0x3FDB];
	s0 =	simm.s32 @p2 $0x1  }
0x17: {  	s4 =	simm.s32 $0x1BF5;
	[smem:$0x3FBC] =	sst s0  }
0x18: {  	s0 =	sld [smem:$0x3F9F];
	_ =	swait.ge [sflag:s4], $0x0  }
0x19: {  	s7 =	sld [smem:$0x3FA0]  }
0x1a: {  	s8 =	sadd.s32 $0xFFFFE003, lr  }
0x1b: {  	s9 =	sadd.s32 $0xFFFFFEF7, lr;
	s5 =	simm.s32 $0xFFFFFFFF;
	p2 =	slt.u32 s8, $0xFFFFF086  }
0x1c: {  	p1 =	slt.u32 s9, $0xF7A;
	s5 =	simm.s32 @!p2 $0x0  }
0x1d: {  	s5 =	simm.s32 @p1 $0x1;
	p0 =	seq.s32 s7, s2  }
0x1e: {  	s7 =	smul.u32 @!p0 $0xF7A, s2;
	p2 =	seq.s32 @!p0 s5, $0x0  }
0x1f: {  	s9 =	smul.u32 $0xF7A, s1;
	s8 =	simm.s32 @!p0 $0x1BF5;
	p2 =	por !p2, p0  }
0x20: {  	[sflag:s8] =	ssyncset.s32 @!p0 $0xFFFFF086;
	s6 =	sadd.s32 @!p0 s3, s7;
	s7 =	simm.s32 @!p0 $0x108  }
0x21: {  	s3 =	sadd.s32 s3, s9;
	s6 =	sadd.s32 @!p0 $0x88, s6;
	s7 =	simm.s32 @p2 $0x1082  }
0x22: {  	[simem:s7], [sflag:s8] =	dma.local @!p0 [hbm:s6], $0xF7A  }
0x23: {  	s9 =	sor.u32 $0xD0000000, s2;
	s6 =	simm.s32 $0x108;
	_ =	swait.ge @!p0 [sflag:s8], $0x0  }
0x24: {  	s3 =	sadd.s32 $0x88, s3;
	s6 =	simm.s32 @!p1 $0x1082;
	[sflag:s4] =	ssyncset.s32 $0xFFFFF086  }
0x25: {  	[simem:s6], [sflag:s4] =	dma.local [hbm:s3], $0xF7A  }
0x26: {  	[smem:$0x3FA0] =	sst s1;
	(tag) =	ssettag s2;
	_ =	strace s9  }
0x27: {  	s1 =	sld [smem:$0x3FB0]  }
0x28: {  	s2 =	sld [smem:$0x3FB1]  }
0x29: {  	s4 =	sld [smem:$0x3FB3]  }
0x2a: {  	p0 =	seq.s32 s5, $0x0;
	s5 =	sld [smem:$0x3FB4]  }
0x2b: {  	s6 =	sld [smem:$0x3FB5]  }
0x2c: {  	s7 =	sld [smem:$0x3FB6]  }
0x2d: {  	s3 =	simm.s32 $0x108;
	s8 =	sld [smem:$0x3FB7]  }
0x2e: {  	s3 =	simm.s32 @!p0 $0x1082;
	s9 =	sld [smem:$0x3FB8]  }
0x2f: {  	lr =	sadd.s32 s0, s3;
	s0 =	sld [smem:$0x3FAF]  }
0x30: {  	s3 =	sld [smem:$0x3FB2]  }
0x31: {  	[smem:$0x3FBB] =	sst s10  }
0x32: {  	s10 =	sld [smem:$0x3FB9];
	_ =	sdelay $0x3  }
0x33: {  	p0 =	seq.s32 s10, $0x1;
	s10 =	sld [smem:$0x3FBB];
	_ =	sdelay $0x3  }
0x34: {  	[smem:$0x3FBB] =	sst s10  }
0x35: {  	s10 =	sld [smem:$0x3FBA];
	_ =	sdelay $0x3  }
0x36: {  	p1 =	seq.s32 s10, $0x1;
	s10 =	sld [smem:$0x3FBB];
	_ =	sdelay $0x3  }
0x37: {  	[smem:$0x3FBB] =	sst s10  }
0x38: {  	s10 =	sld [smem:$0x3FBC]  }
0x39: {  	_ = 	snop;
	(pc) =	sbr.ind lr, $3  }
0x3a: {  	_ = 	snop  }
0x3b: {  	_ = 	snop  }
0x3c: {  	p2 =	seq.s32 s10, $0x1;
	s10 =	sld [smem:$0x3FBB]  }
0x3d: {  	_ =	shalt  }
0x3e: {  	_ =	shalt  }
0x3f: {  	_ =	shalt  }
0x40: {  	_ =	shalt  }
0x41: {  	_ =	shalt  }
0x42: {  	_ =	shalt  }
0x43: {  	_ =	shalt  }
0x44: {  	_ =	shalt  }
0x45: {  	_ =	shalt  }
0x46: {  	_ =	shalt  }
0x47: {  	_ =	shalt  }
0x48: {  	_ =	shalt  }
0x49: {  	_ =	shalt  }
0x4a: {  	_ =	shalt  }
0x4b: {  	_ =	shalt  }
0x4c: {  	_ =	shalt  }
0x4d: {  	_ =	shalt  }
0x4e: {  	_ =	shalt  }
0x4f: {  	_ =	shalt  }
0x50: {  	_ =	shalt  }
0x51: {  	_ =	shalt  }
0x52: {  	_ =	shalt  }
0x53: {  	_ =	shalt  }
0x54: {  	_ =	shalt  }
0x55: {  	_ =	shalt  }
0x56: {  	_ =	shalt  }
0x57: {  	_ =	shalt  }
0x58: {  	_ =	shalt  }
0x59: {  	_ =	shalt  }
0x5a: {  	_ =	shalt  }
0x5b: {  	_ =	shalt  }
0x5c: {  	_ =	shalt  }
0x5d: {  	_ =	shalt  }
0x5e: {  	_ =	shalt  }
0x5f: {  	_ =	shalt  }
0x60: {  	_ =	shalt  }
0x61: {  	_ =	shalt  }
0x62: {  	_ =	shalt  }
0x63: {  	_ =	shalt  }
0x64: {  	_ =	shalt  }
0x65: {  	_ =	shalt  }
0x66: {  	_ =	shalt  }
0x67: {  	_ =	shalt  }
0x68: {  	_ =	shalt  }
0x69: {  	_ =	shalt  }
0x6a: {  	_ =	shalt  }
0x6b: {  	_ =	shalt  }
0x6c: {  	_ =	shalt  }
0x6d: {  	_ =	shalt  }
0x6e: {  	_ =	shalt  }
0x6f: {  	_ =	shalt  }
0x70: {  	_ =	shalt  }
0x71: {  	_ =	shalt  }
0x72: {  	_ =	shalt  }
0x73: {  	_ =	shalt  }
0x74: {  	_ =	shalt  }
0x75: {  	_ =	shalt  }
0x76: {  	_ =	shalt  }
0x77: {  	_ =	shalt  }
0x78: {  	_ =	shalt  }
0x79: {  	_ =	shalt  }
0x7a: {  	_ =	shalt  }
0x7b: {  	_ =	shalt  }
0x7c: {  	_ =	shalt  }
0x7d: {  	_ =	shalt  }
0x7e: {  	_ =	shalt  }
0x7f: {  	_ =	shalt  }
0x80: {  	_ =	shalt  }
0x81: {  	_ =	shalt  }
0x82: {  	_ =	shalt  }
0x83: {  	_ =	shalt  }
0x84: {  	_ =	shalt  }
0x85: {  	_ =	shalt  }
0x86: {  	_ =	shalt  }
0x87: {  	_ =	shalt  }
.Lfunc_end0:
.L_simem_size_0:
called_computation.1_lowered:
.L_overlay_start_0:
0x88: {  	s2 =	sld [smem:$0x3FD9]  }
0x89: {  	s3 =	sld [smem:$0x3FFE];
	_ =	sdelay $0x1  }
0x8a: {  	s1 =	srdreg.scid  }
0x8b: {  	s0 =	sand.u32 $0x1, s1  }
0x8c: {  	s16 =	sshll.u32 s0, $0xA;
	s2 =	sadd.s32 s3, s2  }
0x8d: {  	s2 =	sadd.s32 s2, s16  }
0x8e: {  	[smem:$0x3FC7] =	sst s2  }
0x8f: {  	_ = 	snop  }
0x90: {  	(tm) =	ssettm $0x1  }
0x91: {  	s17 =	sld [smem:$0x3FFB];
	_ =	sdelay $0x3  }
0x92: {  	_ =	strace s17  }
0x93: {  	s2 =	sld [smem:$0x3FFC];
	_ =	sdelay $0x3  }
0x94: {  	_ =	strace s2  }
0x95: {  	s2 =	sld [smem:$0x3FFD];
	_ =	sdelay $0x3  }
0x96: {  	_ =	strace s2  }
0x97: {  	_ =	strace $0x8FFFFFFF  }
0x98: {  	s18 =	sld [smem:$0x3FDB];
	_ =	sdelay $0x1  }
0x99: {  	s19 =	simm.s32 $_scs_section_size  }
0x9a: {  	s4 =	simm.s32 $_size__tile_overlayer_lowered;
	s5 =	simm.s32 $_tile_overlayer_lowered  }
0x9b: {  	s22 =	simm.s32 $0x1BFF;
	s21 =	sshll.u32 s5, $0x1;
	s2 =	sadd.s32 s19, s18  }
0x9c: {  	s6 =	simm.s32 $0x0;
	s20 =	sshll.u32 s4, $0x1;
	s4 =	sadd.s32 s21, s2  }
0x9d: {  	[timem:s6], [sflag:s22] =	dma.local [hbm:s4], s20  }
0x9e: {  	_ =	swait.ge [sflag:s22], s20  }
0x9f: {  	s3 =	ssub.s32 $0x0, s20;
	[sflag:s22] =	ssyncset.done $0x0  }
0xa0: {  	[sflag:s22] =	ssyncadd.s32 s3;
	_ =	sdelay $0x1  }
0xa1: {  	s23 =	simm.s32 $0x1B8B  }
0xa2: {  	_ =	swait.ge [sflag:s23], $0x1  }
0xa3: {  	[sflag:s23] =	ssyncset.done $0x0  }
0xa4: {  	s25 =	simm.s32 $0x1B8E;
	s24 =	sld [smem:$0x3FFE];
	[sflag:s23] =	ssyncadd.s32 $0xFFFFFFFF  }
0xa5: {  	s26 =	simm.s32 $execute0_lowered;
	[smem:$0x3FD2] =	sst s25  }
0xa6: {  	s4 =	sshll.u32 s26, $0x1;
	_ =	strace $0x80000049;
	[dreg:$0x1] =	wrdreg $0xFFFFFFFF  }
0xa7: {  	s28 =	simm.s32 $_size_execute0_lowered;
	s2 =	sadd.s32 s2, s4;
	[dreg:$0x0] =	wrdreg $0x0  }
0xa8: {  	s4 =	sshll.u32 s28, $0x1;
	[dreg:$0x2] =	wrdreg s2  }
0xa9: {  	[dreg:$0x3] =	wrdreg s4  }
0xaa: {  	[dreg:$0x4] =	wrdreg $0xC0  }
0xab: {  	_ =	task [dreg:s6], $0x5FFFF  }
0xac: {  	[dreg:$0x1] =	wrdreg $0xFFFFFFFF  }
0xad: {  	[dreg:$0x0] =	wrdreg $0x60  }
0xae: {  	[dreg:$0x2] =	wrdreg s24  }
0xaf: {  	[dreg:$0x3] =	wrdreg $0x9  }
0xb0: {  	_ =	task.clear_ibuf [dreg:s6], $0x4FFFF;
	_ =	strace $0x90000049  }
0xb1: {  	s29 =	simm.s32 $0x9;
	_ =	strace $0x8000004B  }
0xb2: {  	_ =	swait.ge [sflag:s29], $0x1  }
0xb3: {  	[sflag:s29] =	ssyncadd.s32 $0xFFFFFFFF  }
0xb4: {  	_ =	strace $0x9000004B  }
0xb5: {  	_ =	sfence  }
0xb6: {  	s30 =	sld [smem:$0x0];
	_ =	sdelay $0x2  }
0xb7: {  	s31 =	sshll.u32 s1, $0xD;
	s1 =	sshrl.u32 s1, $0x2  }
0xb8: {  	s3 =	sand.u32 $0x4000, s31;
	s1 =	sadd.s32 s1, s30  }
0xb9: {  	s0 =	sor.u32 s3, s0;
	s1 =	sshll.u32 s1, $0x11  }
0xba: {  	s0 =	sor.u32 s1, s0  }
0xbb: {  	s0 =	sadd.s32 $0x8F2B, s0  }
0xbc: {  	[sflag:s0] =	ssyncadd.remote.s32 $0x1  }
0xbd: {  	_ =	sfence.sel $0xFFFF  }
0xbe: {  	[dreg:$0x0] =	wrdreg $0xFFFFFFFF;
	(pc) =	sbr.abs _section_cstart, $3  }
0xbf: {  	[dreg:$0x1] =	wrdreg $0xFFFFFFFF  }
0xc0: {  	_ =	task.clear_ibuf [dreg:s6], $0x2FFFF;
	_ =	strace $0x9FFFFFFF  }
0xc1: {  	(tm) =	ssettm $0x7FFFFFFF  }
tec
execute0_lowered:
.L_overlay_start_1:
0x0: {  	(tag) =	ssettag $0x1  }
0x1: {  	s1 =	srdreg.scid;
	s0 =	stileid.u32  }
0x2: {  	s14 =	sand.u32 $0x1, s1;
	s28 =	sshll.u32 s0, $0x1  }
0x3: {  	s8 =	sor.u32 s14, s28  }
0x4: {  	s9 =	rddreg [dreg:$0x0];
	s13 =	smul.u32 $0x3200, s8  }
0x5: {  	s2 =	simm.s32 $0x0;
	s1 =	rddreg [dreg:$0x1]  }
0x6: {  	[smem:$0x7FF] =	sst s2;
	s15 =	sadd.s32 $0x20000, s9;
	s3 =	sshrl.u32 s13, $0x3  }
0x7: {  	_ =	strace $0x8000004A;
	s4 =	sadd.s32 s15, s3;
	s3 =	simm.s32 $0x2  }
0x8: {  	[tilespmem:s2], [sflag:$0x2] =	stream.linear.gather [hbm4b:s4+s2], $0xC80, $0x38;
	[tilespmem:$0xD480] =	vst v63  }
0x9: {  	_ =	swait.ge [sflag:s3], $0xC80  }
0xa: {  	s6 =	simm.s32 $0xC80;
	[sflag:s3] =	ssyncset.done $0x0  }
0xb: {  	s7 =	simm.s32 $0x1;
	s5 =	sadd.s32 $0x4C800, s9;
	[sflag:s3] =	ssyncadd.s32 $0xFFFFF380  }
0xc: {  	[tilespmem:s6], [sflag:$0x1] =	stream.indirect.gather [hbm4b:s5+s6], $0x10, s2, s6, $0xb8;
	[tilespmem:$0xD480] =	vst v63  }
0xd: {  	s8 =	smul.u32 $0x6400, s8;
	_ =	swait.ge [sflag:s7], $0xC800  }
0xe: {  	s16 =	sadd.s32 $0x738800, s9;
	[sflag:s7] =	ssyncset.done $0x0  }
0xf: {  	s8 =	sadd.s32 s16, s8;
	[sflag:s7] =	ssyncadd.s32 $0xFFFF3800  }
0x10: {  	[hbm4b:s8+s2] =	stream.linear.scatter [tilespmem:s6], [sflag:$0x2], $0xC800, $0x38;
	[tilespmem:$0xD480] =	vst v63  }
0x11: {  	s10 =	sadd.s32 $0xC80, s13;
	_ =	swait.ge [sflag:s3], $0xC800  }
0x12: {  	s29 =	sshrl.u32 s10, $0x3;
	[sflag:s3] =	ssyncset.done $0x0  }
0x13: {  	s9 =	sadd.s32 s15, s29;
	[sflag:s3] =	ssyncadd.s32 $0xFFFF3800  }
0x14: {  	[tilespmem:s2], [sflag:$0x2] =	stream.linear.gather [hbm4b:s9+s2], $0xC80, $0x38;
	[tilespmem:$0xD480] =	vst v63  }
0x15: {  	_ =	swait.ge [sflag:s3], $0xC80  }
0x16: {  	[sflag:s3] =	ssyncset.done $0x0  }
0x17: {  	[sflag:s3] =	ssyncadd.s32 $0xFFFFF380  }
0x18: {  	[tilespmem:s6], [sflag:$0x1] =	stream.indirect.gather [hbm4b:s5+s6], $0x10, s2, s6, $0xb8;
	[tilespmem:$0xD480] =	vst v63  }
0x19: {  	_ =	swait.ge [sflag:s7], $0xC800  }
0x1a: {  	s10 =	sshll.u32 s10, $0x1;
	[sflag:s7] =	ssyncset.done $0x0  }
0x1b: {  	s10 =	sadd.s32 s16, s10;
	[sflag:s7] =	ssyncadd.s32 $0xFFFF3800  }
0x1c: {  	[hbm4b:s10+s2] =	stream.linear.scatter [tilespmem:s6], [sflag:$0x2], $0xC800, $0x38;
	[tilespmem:$0xD480] =	vst v63  }
0x1d: {  	s12 =	sadd.s32 $0x1900, s13;
	_ =	swait.ge [sflag:s3], $0xC800  }
0x1e: {  	s11 =	sshrl.u32 s12, $0x3;
	[sflag:s3] =	ssyncset.done $0x0  }
0x1f: {  	s11 =	sadd.s32 s15, s11;
	[sflag:s3] =	ssyncadd.s32 $0xFFFF3800  }
0x20: {  	[tilespmem:s2], [sflag:$0x2] =	stream.linear.gather [hbm4b:s11+s2], $0xC80, $0x38;
	[tilespmem:$0xD480] =	vst v63  }
0x21: {  	_ =	swait.ge [sflag:s3], $0xC80  }
0x22: {  	[sflag:s3] =	ssyncset.done $0x0  }
0x23: {  	[sflag:s3] =	ssyncadd.s32 $0xFFFFF380  }
0x24: {  	[tilespmem:s6], [sflag:$0x1] =	stream.indirect.gather [hbm4b:s5+s6], $0x10, s2, s6, $0xb8;
	[tilespmem:$0xD480] =	vst v63  }
0x25: {  	_ =	swait.ge [sflag:s7], $0xC800  }
0x26: {  	s12 =	sshll.u32 s12, $0x1;
	[sflag:s7] =	ssyncset.done $0x0  }
0x27: {  	s12 =	sadd.s32 s16, s12;
	[sflag:s7] =	ssyncadd.s32 $0xFFFF3800  }
0x28: {  	[hbm4b:s12+s2] =	stream.linear.scatter [tilespmem:s6], [sflag:$0x2], $0xC800, $0x38;
	[tilespmem:$0xD480] =	vst v63  }
0x29: {  	s17 =	sadd.s32 $0x2580, s13;
	_ =	swait.ge [sflag:s3], $0xC800  }
0x2a: {  	s13 =	sshrl.u32 s17, $0x3;
	[sflag:s3] =	ssyncset.done $0x0  }
0x2b: {  	s14 =	ssub.s32 $0x2, s14;
	s13 =	sadd.s32 s15, s13;
	[sflag:s3] =	ssyncadd.s32 $0xFFFF3800  }
0x2c: {  	[tilespmem:s2], [sflag:$0x2] =	stream.linear.gather [hbm4b:s13+s2], $0xC80, $0x38;
	[tilespmem:$0xD480] =	vst v63  }
0x2d: {  	s30 =	sshrl.u32 s14, $0x1;
	_ =	swait.ge [sflag:s3], $0xC80  }
0x2e: {  	s15 =	ssub.s32 s14, s30;
	[sflag:s3] =	ssyncset.done $0x0  }
0x2f: {  	s15 =	smax.u32 s15, $0x1;
	[sflag:s3] =	ssyncadd.s32 $0xFFFFF380  }
0x30: {  	[tilespmem:s6], [sflag:$0x1] =	stream.indirect.gather [hbm4b:s5+s6], $0x10, s2, s6, $0xb8;
	[tilespmem:$0xD480] =	vst v63  }
0x31: {  	p0 =	sne.s32 s15, $0x1;
	_ =	swait.ge [sflag:s7], $0xC800  }
.Ltmp0:
0x32: {  	s31 =	sshll.u32 s17, $0x1;
	[sflag:s7] =	ssyncset.done $0x0;
	(pc) =	sbr.rel @!p0 .LBB2_2-.Ltmp0, $4  }
0x33: {  	s14 =	sadd.s32 s16, s31;
	[sflag:s7] =	ssyncadd.s32 $0xFFFF3800  }
0x34: {  	[hbm4b:s14+s2] =	stream.linear.scatter [tilespmem:s6], [sflag:$0x2], $0xC800, $0x38;
	[tilespmem:$0xD480] =	vst v63  }
0x35: {  	_ =	swait.ge [sflag:s3], $0xC800  }
0x36: {  	s15 =	sadd.s32 $0xFFFFFFFF, s15;
	[sflag:s3] =	ssyncset.done $0x0  }
.LBB2_1:
0x37: {  	p0 =	sne.s32 s15, $0x1;
	s15 =	sadd.s32 $0xFFFFFFFF, s15;
	[sflag:s3] =	ssyncadd.s32 $0xFFFF3800  }
0x38: {  	[tilespmem:s2], [sflag:$0x2] =	stream.linear.gather [hbm4b:s4+s2], $0xC80, $0x38;
	[tilespmem:$0xD480] =	vst v63  }
0x39: {  	_ =	swait.ge [sflag:s3], $0xC80  }
0x3a: {  	[sflag:s3] =	ssyncset.done $0x0  }
0x3b: {  	[sflag:s3] =	ssyncadd.s32 $0xFFFFF380  }
0x3c: {  	[tilespmem:s6], [sflag:$0x1] =	stream.indirect.gather [hbm4b:s5+s6], $0x10, s2, s6, $0xb8;
	[tilespmem:$0xD480] =	vst v63  }
0x3d: {  	_ =	swait.ge [sflag:s7], $0xC800  }
0x3e: {  	[sflag:s7] =	ssyncset.done $0x0  }
0x3f: {  	[sflag:s7] =	ssyncadd.s32 $0xFFFF3800  }
0x40: {  	[hbm4b:s8+s2] =	stream.linear.scatter [tilespmem:s6], [sflag:$0x2], $0xC800, $0x38;
	[tilespmem:$0xD480] =	vst v63  }
0x41: {  	_ =	swait.ge [sflag:s3], $0xC800  }
0x42: {  	[sflag:s3] =	ssyncset.done $0x0  }
0x43: {  	[sflag:s3] =	ssyncadd.s32 $0xFFFF3800  }
0x44: {  	[tilespmem:s2], [sflag:$0x2] =	stream.linear.gather [hbm4b:s9+s2], $0xC80, $0x38;
	[tilespmem:$0xD480] =	vst v63  }
0x45: {  	_ =	swait.ge [sflag:s3], $0xC80  }
0x46: {  	[sflag:s3] =	ssyncset.done $0x0  }
0x47: {  	[sflag:s3] =	ssyncadd.s32 $0xFFFFF380  }
0x48: {  	[tilespmem:s6], [sflag:$0x1] =	stream.indirect.gather [hbm4b:s5+s6], $0x10, s2, s6, $0xb8;
	[tilespmem:$0xD480] =	vst v63  }
0x49: {  	_ =	swait.ge [sflag:s7], $0xC800  }
0x4a: {  	[sflag:s7] =	ssyncset.done $0x0  }
0x4b: {  	[sflag:s7] =	ssyncadd.s32 $0xFFFF3800  }
0x4c: {  	[hbm4b:s10+s2] =	stream.linear.scatter [tilespmem:s6], [sflag:$0x2], $0xC800, $0x38;
	[tilespmem:$0xD480] =	vst v63  }
0x4d: {  	_ =	swait.ge [sflag:s3], $0xC800  }
0x4e: {  	[sflag:s3] =	ssyncset.done $0x0  }
0x4f: {  	[sflag:s3] =	ssyncadd.s32 $0xFFFF3800  }
0x50: {  	[tilespmem:s2], [sflag:$0x2] =	stream.linear.gather [hbm4b:s11+s2], $0xC80, $0x38;
	[tilespmem:$0xD480] =	vst v63  }
0x51: {  	_ =	swait.ge [sflag:s3], $0xC80  }
0x52: {  	[sflag:s3] =	ssyncset.done $0x0  }
0x53: {  	[sflag:s3] =	ssyncadd.s32 $0xFFFFF380  }
0x54: {  	[tilespmem:s6], [sflag:$0x1] =	stream.indirect.gather [hbm4b:s5+s6], $0x10, s2, s6, $0xb8;
	[tilespmem:$0xD480] =	vst v63  }
0x55: {  	_ =	swait.ge [sflag:s7], $0xC800  }
0x56: {  	[sflag:s7] =	ssyncset.done $0x0  }
0x57: {  	[sflag:s7] =	ssyncadd.s32 $0xFFFF3800  }
0x58: {  	[hbm4b:s12+s2] =	stream.linear.scatter [tilespmem:s6], [sflag:$0x2], $0xC800, $0x38;
	[tilespmem:$0xD480] =	vst v63  }
0x59: {  	_ =	swait.ge [sflag:s3], $0xC800  }
0x5a: {  	[sflag:s3] =	ssyncset.done $0x0  }
0x5b: {  	[sflag:s3] =	ssyncadd.s32 $0xFFFF3800  }
0x5c: {  	[tilespmem:s2], [sflag:$0x2] =	stream.linear.gather [hbm4b:s13+s2], $0xC80, $0x38;
	[tilespmem:$0xD480] =	vst v63  }
0x5d: {  	_ =	swait.ge [sflag:s3], $0xC80  }
0x5e: {  	[sflag:s3] =	ssyncset.done $0x0  }
0x5f: {  	[sflag:s3] =	ssyncadd.s32 $0xFFFFF380  }
0x60: {  	[tilespmem:s6], [sflag:$0x1] =	stream.indirect.gather [hbm4b:s5+s6], $0x10, s2, s6, $0xb8;
	[tilespmem:$0xD480] =	vst v63  }
0x61: {  	_ =	swait.ge [sflag:s7], $0xC800  }
.Ltmp1:
0x62: {  	[sflag:s7] =	ssyncset.done $0x0;
	(pc) =	sbr.rel @p0 .LBB2_1-.Ltmp1, $4  }
0x63: {  	[sflag:s7] =	ssyncadd.s32 $0xFFFF3800  }
0x64: {  	[hbm4b:s14+s2] =	stream.linear.scatter [tilespmem:s6], [sflag:$0x2], $0xC800, $0x38;
	[tilespmem:$0xD480] =	vst v63  }
0x65: {  	_ =	swait.ge [sflag:s3], $0xC800  }
0x66: {  	[sflag:s3] =	ssyncset.done $0x0  }
.LBB2_2:
0x67: {  	[sflag:s3] =	ssyncadd.s32 $0xFFFF3800  }
0x68: {  	_ =	sfence.sel $0x180000  }
0x69: {  	[bflag:$0x0] =	sbarrier.arrive $0xFFFF  }
0x6a: {  	p0 =	sne.s32 s0, $0x0;
	_ =	strace $0x9000004A  }
0x6b: {  	s0 =	sadd.s32 @!p0 $0x100000, s1;
	[bflag:$0x2] =	sbarrier.arrive $0xFFFF  }
0x6c: {  	[sflag:s0] =	ssyncadd.tile.s32 @!p0 $0x1;
	_ =	shalt  }
.Lfunc_end2:
_tile_overlayer_lowered:
.L_overlay_start_2:
0x6d: {  	(tag) =	ssettag $0x2  }
0x6e: {  	s0 =	rddreg [dreg:$0x0];
	s2 =	stileid.u32  }
0x6f: {  	s1 =	rddreg [dreg:$0x1];
	p0 =	sne.s32 s2, $0x0  }
0x70: {  	s3 =	rddreg [dreg:$0x2];
	[bflag:$0x3] =	sbarrier.arrive $0xFFFF;
	s2 =	simm.s32 @!p0 $0x1C02  }
0x71: {  	[timem:s3], [sflag:s2] =	dma.local @!p0 [hbm:s0], s1  }
0x72: {  	s0 =	simm.s32 @!p0 $0x2  }
0x73: {  	_ =	swait.ge @!p0 [sflag:s0], s1  }
0x74: {  	s1 =	ssub.s32 @!p0 $0x0, s1;
	[sflag:s0] =	ssyncset.done @!p0 $0x0  }
0x75: {  	[sflag:s0] =	ssyncadd.s32 @!p0 s1  }
0x76: {  	[bflag:$0x3] =	sbarrier.arrive $0xFFFF  }
0x77: {  	_ =	shalt  }

</sc_bundles>
